<compile_context>
chip_gen: v7x
topology: tpu7x:2x2x1
jax: 0.10.2.dev20260603
libtpu: 0.0.44.dev20260713+nightly
codegen_flags: <defaults>
</compile_context>

<pallas_src>
import jax
import jax.numpy as jnp
from jax import lax
from jax.experimental import pallas as pl
from jax.experimental.pallas import tpu as pltpu
from jax.experimental.pallas import tpu_sc as plsc

N = 10000
E = 160000
D = 512
H = 256
HH = H // 2

NC = 2
NS = 16
LANES = 16

R = 10240
ROWS_PER_TILE = R // NS
E_PAD = 163840
EPT = E_PAD // NS
CHUNK = 128
NCHUNK = EPT // CHUNK
SEG = 40
NSEG = NCHUNK // SEG
EPT_DEG = E_PAD // (NC * NS)

_MESH = plsc.VectorSubcoreMesh(
    core_axis_name="c", subcore_axis_name="s", num_cores=NC, num_subcores=NS
)

_SC_PARAMS = pltpu.CompilerParams(needs_layout_passes=False)


def _sc_degrees_body(srcd_hbm, dstd_hbm, dego_hbm, degi_hbm,
                     src_v, dst_v, dego_v, degi_v):
    cid = lax.axis_index("c")
    sid = lax.axis_index("s")
    wid = sid * NC + cid

    pltpu.sync_copy(srcd_hbm.at[wid], src_v)
    pltpu.sync_copy(dstd_hbm.at[wid], dst_v)

    zeros16 = jnp.zeros((LANES,), jnp.float32)

    def zero_body(i, _):
        dego_v[pl.ds(i * LANES, LANES)] = zeros16
        degi_v[pl.ds(i * LANES, LANES)] = zeros16
        return _

    lax.fori_loop(0, R // LANES, zero_body, None)

    ones16 = jnp.ones((LANES,), jnp.float32)

    def hist_body(i, _):
        s_idx = src_v[pl.ds(i * LANES, LANES)]
        plsc.addupdate_scatter(dego_v, [s_idx], ones16)
        d_idx = dst_v[pl.ds(i * LANES, LANES)]
        plsc.addupdate_scatter(degi_v, [d_idx], ones16)
        return _

    lax.fori_loop(0, EPT_DEG // LANES, hist_body, None)

    pltpu.sync_copy(dego_v, dego_hbm.at[wid])
    pltpu.sync_copy(degi_v, degi_hbm.at[wid])


_sc_degrees = pl.kernel(
    _sc_degrees_body,
    out_type=(
        jax.ShapeDtypeStruct((NC * NS, R), jnp.float32),
        jax.ShapeDtypeStruct((NC * NS, R), jnp.float32),
    ),
    mesh=_MESH,
    scratch_types=[
        pltpu.VMEM((EPT_DEG,), jnp.int32),
        pltpu.VMEM((EPT_DEG,), jnp.int32),
        pltpu.VMEM((R,), jnp.float32),
        pltpu.VMEM((R,), jnp.float32),
    ],
    compiler_params=_SC_PARAMS,
)


def _sc_propagate_body(table_hbm, srcp0_hbm, srcp1_hbm, dstp_hbm, agg_hbm,
                       src_v, dst_v, rows_v, rows_v1, acc, sem, sem1):
    cid = lax.axis_index("c")
    sid = lax.axis_index("s")

    zeros16 = jnp.zeros((LANES,), jnp.float32)

    def zrow(i, _):
        r = i // (HH // LANES)
        k = i % (HH // LANES)
        rows_v[r, pl.ds(k * LANES, LANES)] = zeros16
        return _

    lax.fori_loop(0, CHUNK * (HH // LANES), zrow, None)

    base = sid * ROWS_PER_TILE
    for z in range(ROWS_PER_TILE // CHUNK):
        pltpu.sync_copy(rows_v, acc.at[pl.ds(base + z * CHUNK, CHUNK)])

    plsc.subcore_barrier()

    def wait_gather(buf, s):
        pltpu.make_async_copy(table_hbm.at[src_v.at[0]], buf, s).wait()

    def seg_body(sg, _):
        @pl.when(cid == 0)
        def _():
            pltpu.sync_copy(srcp0_hbm.at[sid, sg], src_v)

        @pl.when(cid == 1)
        def _():
            pltpu.sync_copy(srcp1_hbm.at[sid, sg], src_v)

        pltpu.sync_copy(dstp_hbm.at[sid, sg], dst_v)

        pltpu.async_copy(table_hbm.at[src_v.at[0]], rows_v, sem)

        def edge_body(g, _):
            j0 = 2 * g
            pltpu.async_copy(table_hbm.at[src_v.at[j0 + 1]], rows_v1, sem1)
            wait_gather(rows_v, sem)
            pltpu.sync_copy(rows_v, acc.at[dst_v.at[j0]], add=True)

            @pl.when(j0 + 2 < SEG)
            def _():
                pltpu.async_copy(table_hbm.at[src_v.at[j0 + 2]], rows_v, sem)

            wait_gather(rows_v1, sem1)
            pltpu.sync_copy(rows_v1, acc.at[dst_v.at[j0 + 1]], add=True)
            return _

        lax.fori_loop(0, SEG // 2, edge_body, None)
        return _

    lax.fori_loop(0, NSEG, seg_body, None)

    plsc.subcore_barrier()

    out_base = cid * R + base
    pltpu.sync_copy(acc.at[pl.ds(base, ROWS_PER_TILE)],
                    agg_hbm.at[pl.ds(out_base, ROWS_PER_TILE)])


_sc_propagate = pl.kernel(
    _sc_propagate_body,
    out_type=jax.ShapeDtypeStruct((NC * R, HH), jnp.float32),
    mesh=_MESH,
    scratch_types=[
        pltpu.VMEM((SEG, CHUNK), jnp.int32),
        pltpu.VMEM((SEG, CHUNK), jnp.int32),
        pltpu.VMEM((CHUNK, HH), jnp.float32),
        pltpu.VMEM((CHUNK, HH), jnp.float32),
        pltpu.VMEM_SHARED((R, HH), jnp.float32),
        pltpu.SemaphoreType.DMA,
        pltpu.SemaphoreType.DMA,
    ],
    compiler_params=_SC_PARAMS,
)


_BM = 1024
_GRID = R // _BM


def _dot(a, b):
    return jnp.dot(a, b, preferred_element_type=jnp.float32,
                   precision=lax.Precision.DEFAULT)


def _tc_finalize_deg_body(dego_ref, degi_ref, dinv_out_ref, dinv_in_ref):
    do = jnp.maximum(jnp.sum(dego_ref[...], axis=0), 1.0)
    di = jnp.maximum(jnp.sum(degi_ref[...], axis=0), 1.0)
    dinv_out_ref[...] = lax.rsqrt(do)[:, None]
    dinv_in_ref[...] = lax.rsqrt(di)[:, None]


def _tc_finalize_deg(dego_p, degi_p):
    return pl.pallas_call(
        _tc_finalize_deg_body,
        out_shape=(
            jax.ShapeDtypeStruct((R, 1), jnp.float32),
            jax.ShapeDtypeStruct((R, 1), jnp.float32),
        ),
    )(dego_p, degi_p)


def _tc_y1_body(x_ref, w_ref, dinv_ref, out_ref):
    y = _dot(x_ref[...], w_ref[...]) * dinv_ref[...]
    out_ref[0, :, :] = y[:, :HH]
    out_ref[1, :, :] = y[:, HH:]


def _tc_y1(feats_p, W_gc1, dinv_out):
    return pl.pallas_call(
        _tc_y1_body,
        grid=(_GRID,),
        in_specs=[
            pl.BlockSpec((_BM, D), lambda r: (r, 0)),
            pl.BlockSpec((D, H), lambda r: (0, 0)),
            pl.BlockSpec((_BM, 1), lambda r: (r, 0)),
        ],
        out_specs=pl.BlockSpec((NC, _BM, HH), lambda r: (0, r, 0)),
        out_shape=jax.ShapeDtypeStruct((NC, R, HH), jnp.float32),
    )(feats_p, W_gc1, dinv_out)


def _tc_mid_body(agg_ref, din_ref, dout_ref, b_ref, out_ref):
    x = jax.nn.relu(agg_ref[...] * din_ref[...][None] + b_ref[...])
    out_ref[...] = x * dout_ref[...][None]


def _tc_mid(agg1, dinv_in, dinv_out, b_gc1_2):
    return pl.pallas_call(
        _tc_mid_body,
        grid=(_GRID,),
        in_specs=[
            pl.BlockSpec((NC, _BM, HH), lambda r: (0, r, 0)),
            pl.BlockSpec((_BM, 1), lambda r: (r, 0)),
            pl.BlockSpec((_BM, 1), lambda r: (r, 0)),
            pl.BlockSpec((NC, 1, HH), lambda r: (0, 0, 0)),
        ],
        out_specs=pl.BlockSpec((NC, _BM, HH), lambda r: (0, r, 0)),
        out_shape=jax.ShapeDtypeStruct((NC, R, HH), jnp.float32),
    )(agg1, dinv_in, dinv_out, b_gc1_2)


def _tc_final_body(agg_ref, din_ref, feat_ref, wg2_ref, bg2_ref,
                   wm1_ref, bm1_ref, wm2_ref, bm2_ref, out_ref):
    a = jnp.concatenate([agg_ref[0], agg_ref[1]], axis=1) * din_ref[...]
    gcn = _dot(a, wg2_ref[...]) + bg2_ref[...] + feat_ref[...]
    m = jax.nn.relu(_dot(gcn, wm1_ref[...]) + bm1_ref[...])
    out_ref[...] = _dot(m, wm2_ref[...]) + bm2_ref[...] + gcn


def _tc_final(agg2, dinv_in, feats_p, W_gc2, b_gc2, W_m1, b_m1, W_m2, b_m2):
    return pl.pallas_call(
        _tc_final_body,
        grid=(_GRID,),
        in_specs=[
            pl.BlockSpec((NC, _BM, HH), lambda r: (0, r, 0)),
            pl.BlockSpec((_BM, 1), lambda r: (r, 0)),
            pl.BlockSpec((_BM, D), lambda r: (r, 0)),
            pl.BlockSpec((H, D), lambda r: (0, 0)),
            pl.BlockSpec((1, D), lambda r: (0, 0)),
            pl.BlockSpec((D, H), lambda r: (0, 0)),
            pl.BlockSpec((1, H), lambda r: (0, 0)),
            pl.BlockSpec((H, D), lambda r: (0, 0)),
            pl.BlockSpec((1, D), lambda r: (0, 0)),
        ],
        out_specs=pl.BlockSpec((_BM, D), lambda r: (r, 0)),
        out_shape=jax.ShapeDtypeStruct((R, D), jnp.float32),
    )(agg2, dinv_in, feats_p, W_gc2, b_gc2, W_m1, b_m1, W_m2, b_m2)


def kernel(features, edge_index, W_gc1, b_gc1, W_gc2, b_gc2,
           W_m1, b_m1, W_m2, b_m2):
    src = edge_index[0]
    dst = edge_index[1]
    pad = jnp.full((E_PAD - E,), N, dtype=jnp.int32)
    src_p = jnp.concatenate([src, pad])
    dst_p = jnp.concatenate([dst, pad])

    srcd = src_p.reshape(NC * NS, EPT_DEG)
    dstd = dst_p.reshape(NC * NS, EPT_DEG)
    srcp0 = src_p.reshape(NS, NSEG, SEG, CHUNK)
    srcp1 = srcp0 + R
    dstp = dst_p.reshape(NS, NSEG, SEG, CHUNK)

    feats_p = jnp.pad(features, ((0, R - N), (0, 0)))

    dego_p, degi_p = _sc_degrees(srcd, dstd)
    dinv_out, dinv_in = _tc_finalize_deg(dego_p, degi_p)

    y1 = _tc_y1(feats_p, W_gc1, dinv_out)
    agg1 = _sc_propagate(y1.reshape(NC * R, HH), srcp0, srcp1, dstp)
    h2 = _tc_mid(agg1.reshape(NC, R, HH), dinv_in, dinv_out,
                 b_gc1.reshape(NC, 1, HH))
    agg2 = _sc_propagate(h2.reshape(NC * R, HH), srcp0, srcp1, dstp)
    out_p = _tc_final(agg2.reshape(NC, R, HH), dinv_in, feats_p,
                      W_gc2, b_gc2.reshape(1, D), W_m1, b_m1.reshape(1, H),
                      W_m2, b_m2.reshape(1, D))
    return out_p[:N]

# --- scband reference (transcript-rebuilt; emitter-appended) ---
"""Pipeline reference for scband-multi-head-model-18923625906894 (READ-ONLY COPY).

The authoritative reference and input builder live on the scoring server;
editing this copy changes nothing except your own understanding.
"""

import jax, jax.numpy as jnp
import numpy as np

N = 10000
E = 160000
D = 512
H_GCN = 256
H_MLP = 256


def setup_inputs(seed: int = 0) -> dict:
    key = jax.random.key(seed)
    ks = jax.random.split(key, 10)
    features = jax.random.normal(ks[0], (N, D), dtype=jnp.float32)
    edge_index = jax.random.randint(ks[1], (2, E), 0, N, dtype=jnp.int32)
    W_gc1 = jax.random.normal(ks[2], (D, H_GCN), dtype=jnp.float32) / np.sqrt(D)
    b_gc1 = jnp.zeros((H_GCN,), dtype=jnp.float32)
    W_gc2 = jax.random.normal(ks[3], (H_GCN, D), dtype=jnp.float32) / np.sqrt(H_GCN)
    b_gc2 = jnp.zeros((D,), dtype=jnp.float32)
    W_m1 = jax.random.normal(ks[4], (D, H_MLP), dtype=jnp.float32) / np.sqrt(D)
    b_m1 = jnp.zeros((H_MLP,), dtype=jnp.float32)
    W_m2 = jax.random.normal(ks[5], (H_MLP, D), dtype=jnp.float32) / np.sqrt(H_MLP)
    b_m2 = jnp.zeros((D,), dtype=jnp.float32)
    return {"features": features, "edge_index": edge_index,
            "W_gc1": W_gc1, "b_gc1": b_gc1, "W_gc2": W_gc2, "b_gc2": b_gc2,
            "W_m1": W_m1, "b_m1": b_m1, "W_m2": W_m2, "b_m2": b_m2}


def _graph_conv(x, src, dst, W, b):
    # DGL GraphConv with norm='both': D_out^{-1/2} A D_in^{-1/2} X W + b
    deg_out = jnp.zeros((N,), dtype=jnp.float32).at[src].add(1.0)
    deg_out = jnp.maximum(deg_out, 1.0)
    deg_in = jnp.zeros((N,), dtype=jnp.float32).at[dst].add(1.0)
    deg_in = jnp.maximum(deg_in, 1.0)
    h = x * (deg_out ** -0.5)[:, None]
    msg = h[src]  # gather over edges
    agg = jnp.zeros((N, h.shape[1]), dtype=h.dtype).at[dst].add(msg)  # scatter-add
    agg = agg * (deg_in ** -0.5)[:, None]
    return agg @ W + b


def reference(features, edge_index, W_gc1, b_gc1, W_gc2, b_gc2, W_m1, b_m1, W_m2, b_m2):
    src = edge_index[0]
    dst = edge_index[1]
    # GCN head
    x = _graph_conv(features, src, dst, W_gc1, b_gc1)
    x = jax.nn.relu(x)
    gcn_output = _graph_conv(x, src, dst, W_gc2, b_gc2)
    gcn_output = gcn_output + features  # residual
    # MLP head
    m = jax.nn.relu(gcn_output @ W_m1 + b_m1)
    mlp_output = m @ W_m2 + b_m2
    final_output = mlp_output + gcn_output
    return final_output

if __name__ == "__main__":
    import jax
    _d = setup_inputs()
    print(jax.jit(kernel)(*tuple(_d.values())))

</pallas_src>

<mosaic_0001>
#map = affine_map<(d0, d1) -> (0, 0)>
module attributes {stable_mosaic.version = 14 : i64} {
  func.func @_sc_degrees_body(%arg0: i32, %arg1: i32, %arg2: memref<32x5120xi32, #tpu.memory_space<hbm>>, %arg3: memref<32x5120xi32, #tpu.memory_space<hbm>>, %arg4: memref<32x10240xf32, #tpu.memory_space<hbm>>, %arg5: memref<32x10240xf32, #tpu.memory_space<hbm>>, %arg6: memref<5120xi32, #tpu.memory_space<vmem>>, %arg7: memref<5120xi32, #tpu.memory_space<vmem>>, %arg8: memref<10240xf32, #tpu.memory_space<vmem>>, %arg9: memref<10240xf32, #tpu.memory_space<vmem>>) attributes {dimension_semantics = [#tpu.dimension_semantics<core_parallel>, #tpu.dimension_semantics<subcore_parallel>], iteration_bounds = array<i64: 2, 16>, scalar_prefetch = 0 : i64, scratch_operands = 4 : i64, tpu.core_type = #tpu.core_type<sc_vector_subcore>, window_params = [{transform_indices = #map}, {transform_indices = #map}, {transform_indices = #map}, {transform_indices = #map}]} {
    %mul3A = arith.constant 2 : i32
    %mul3A_0 = arith.muli %arg1, %mul3A : i32
    %add3A = arith.addi %mul3A_0, %arg0 : i32
    "tpu.region"() ({
      %run_scoped3A = tpu.sem_alloc : memref<!tpu.dma_semaphore, #tpu.memory_space<semaphore_mem>>
      %dma_start3A = arith.constant 0 : i32
      %dma_start3A_13 = tpu.memref_slice %arg2[%add3A, %dma_start3A] : memref<32x5120xi32, #tpu.memory_space<hbm>> -> memref<1x5120xi32, #tpu.memory_space<hbm>>
      %dma_start3A_14 = tpu.memref_squeeze %dma_start3A_13 : memref<1x5120xi32, #tpu.memory_space<hbm>> -> memref<5120xi32, #tpu.memory_space<hbm>>
      %dma_start3A_15 = arith.constant 0 : i32
      %dma_start3A_16 = tpu.memref_slice %arg2[%add3A, %dma_start3A_15] : memref<32x5120xi32, #tpu.memory_space<hbm>> -> memref<1x5120xi32, #tpu.memory_space<hbm>>
      %dma_start3A_17 = tpu.memref_squeeze %dma_start3A_16 : memref<1x5120xi32, #tpu.memory_space<hbm>> -> memref<5120xi32, #tpu.memory_space<hbm>>
      tpu.enqueue_dma source(%dma_start3A_17 : memref<5120xi32, #tpu.memory_space<hbm>>) target(%arg6 : memref<5120xi32, #tpu.memory_space<vmem>>) target_semaphore(%run_scoped3A : memref<!tpu.dma_semaphore, #tpu.memory_space<semaphore_mem>>)
      %dma_wait3A = arith.constant 0 : i32
      %dma_wait3A_18 = tpu.memref_slice %arg2[%add3A, %dma_wait3A] : memref<32x5120xi32, #tpu.memory_space<hbm>> -> memref<1x5120xi32, #tpu.memory_space<hbm>>
      %dma_wait3A_19 = tpu.memref_squeeze %dma_wait3A_18 : memref<1x5120xi32, #tpu.memory_space<hbm>> -> memref<5120xi32, #tpu.memory_space<hbm>>
      %dma_wait3A_20 = arith.constant 0 : i32
      %dma_wait3A_21 = tpu.memref_slice %arg2[%add3A, %dma_wait3A_20] : memref<32x5120xi32, #tpu.memory_space<hbm>> -> memref<1x5120xi32, #tpu.memory_space<hbm>>
      %dma_wait3A_22 = tpu.memref_squeeze %dma_wait3A_21 : memref<1x5120xi32, #tpu.memory_space<hbm>> -> memref<5120xi32, #tpu.memory_space<hbm>>
      tpu.wait_dma2 semaphore(%run_scoped3A : memref<!tpu.dma_semaphore, #tpu.memory_space<semaphore_mem>>) src(%dma_wait3A_22 : memref<5120xi32, #tpu.memory_space<hbm>>) dst(%arg6 : memref<5120xi32, #tpu.memory_space<vmem>>)
      tpu.yield
    }) : () -> ()
    "tpu.region"() ({
      %run_scoped3A = tpu.sem_alloc : memref<!tpu.dma_semaphore, #tpu.memory_space<semaphore_mem>>
      %dma_start3A = arith.constant 0 : i32
      %dma_start3A_13 = tpu.memref_slice %arg3[%add3A, %dma_start3A] : memref<32x5120xi32, #tpu.memory_space<hbm>> -> memref<1x5120xi32, #tpu.memory_space<hbm>>
      %dma_start3A_14 = tpu.memref_squeeze %dma_start3A_13 : memref<1x5120xi32, #tpu.memory_space<hbm>> -> memref<5120xi32, #tpu.memory_space<hbm>>
      %dma_start3A_15 = arith.constant 0 : i32
      %dma_start3A_16 = tpu.memref_slice %arg3[%add3A, %dma_start3A_15] : memref<32x5120xi32, #tpu.memory_space<hbm>> -> memref<1x5120xi32, #tpu.memory_space<hbm>>
      %dma_start3A_17 = tpu.memref_squeeze %dma_start3A_16 : memref<1x5120xi32, #tpu.memory_space<hbm>> -> memref<5120xi32, #tpu.memory_space<hbm>>
      tpu.enqueue_dma source(%dma_start3A_17 : memref<5120xi32, #tpu.memory_space<hbm>>) target(%arg7 : memref<5120xi32, #tpu.memory_space<vmem>>) target_semaphore(%run_scoped3A : memref<!tpu.dma_semaphore, #tpu.memory_space<semaphore_mem>>)
      %dma_wait3A = arith.constant 0 : i32
      %dma_wait3A_18 = tpu.memref_slice %arg3[%add3A, %dma_wait3A] : memref<32x5120xi32, #tpu.memory_space<hbm>> -> memref<1x5120xi32, #tpu.memory_space<hbm>>
      %dma_wait3A_19 = tpu.memref_squeeze %dma_wait3A_18 : memref<1x5120xi32, #tpu.memory_space<hbm>> -> memref<5120xi32, #tpu.memory_space<hbm>>
      %dma_wait3A_20 = arith.constant 0 : i32
      %dma_wait3A_21 = tpu.memref_slice %arg3[%add3A, %dma_wait3A_20] : memref<32x5120xi32, #tpu.memory_space<hbm>> -> memref<1x5120xi32, #tpu.memory_space<hbm>>
      %dma_wait3A_22 = tpu.memref_squeeze %dma_wait3A_21 : memref<1x5120xi32, #tpu.memory_space<hbm>> -> memref<5120xi32, #tpu.memory_space<hbm>>
      tpu.wait_dma2 semaphore(%run_scoped3A : memref<!tpu.dma_semaphore, #tpu.memory_space<semaphore_mem>>) src(%dma_wait3A_22 : memref<5120xi32, #tpu.memory_space<hbm>>) dst(%arg7 : memref<5120xi32, #tpu.memory_space<vmem>>)
      tpu.yield
    }) : () -> ()
    %broadcast_in_dim3A = arith.constant 0.000000e+00 : f32
    %broadcast_in_dim3A_1 = vector.broadcast %broadcast_in_dim3A : f32 to vector<16xf32>
    %scan3A = arith.constant 0 : i32
    %scan3A_2 = arith.constant 640 : i32
    %scan3A_3 = arith.addi %scan3A, %scan3A_2 : i32
    %scan3A_4 = arith.constant 1 : i32
    scf.for %scan3A_13 = %scan3A to %scan3A_3 step %scan3A_4  : i32 {
      %mul3A_14 = arith.constant 16 : i32
      %mul3A_15 = arith.muli %scan3A_13, %mul3A_14 : i32
      %swap3A = arith.index_cast %mul3A_15 : i32 to index
      %swap3A_16 = tpu.vector_load %arg8[%swap3A] {strides = array<i32>} : memref<10240xf32, #tpu.memory_space<vmem>>, vector<16xf32>,
      tpu.vector_store %arg8[%swap3A], %broadcast_in_dim3A_1 {strides = array<i32>} : memref<10240xf32, #tpu.memory_space<vmem>>, vector<16xf32>,
      %mul3A_17 = arith.constant 16 : i32
      %mul3A_18 = arith.muli %scan3A_13, %mul3A_17 : i32
      %swap3A_19 = arith.index_cast %mul3A_18 : i32 to index
      %swap3A_20 = tpu.vector_load %arg9[%swap3A_19] {strides = array<i32>} : memref<10240xf32, #tpu.memory_space<vmem>>, vector<16xf32>,
      tpu.vector_store %arg9[%swap3A_19], %broadcast_in_dim3A_1 {strides = array<i32>} : memref<10240xf32, #tpu.memory_space<vmem>>, vector<16xf32>,
    }
    %scan3A_5 = arith.constant 640 : i32
    %broadcast_in_dim3A_6 = arith.constant 1.000000e+00 : f32
    %broadcast_in_dim3A_7 = vector.broadcast %broadcast_in_dim3A_6 : f32 to vector<16xf32>
    %scan3A_8 = arith.constant 0 : i32
    %scan3A_9 = arith.constant 320 : i32
    %scan3A_10 = arith.addi %scan3A_8, %scan3A_9 : i32
    %scan3A_11 = arith.constant 1 : i32
    scf.for %scan3A_13 = %scan3A_8 to %scan3A_10 step %scan3A_11  : i32 {
      %mul3A_14 = arith.constant 16 : i32
      %mul3A_15 = arith.muli %scan3A_13, %mul3A_14 : i32
      %get3A = arith.index_cast %mul3A_15 : i32 to index
      %get3A_16 = tpu.vector_load %arg6[%get3A] {strides = array<i32>} : memref<5120xi32, #tpu.memory_space<vmem>>, vector<16xi32>,
      tpu.vector_store_idx %arg8[%get3A_16], %broadcast_in_dim3A_7 {add = true} : memref<10240xf32, #tpu.memory_space<vmem>>[vector<16xi32>], vector<16xf32>,
      %mul3A_17 = arith.constant 16 : i32
      %mul3A_18 = arith.muli %scan3A_13, %mul3A_17 : i32
      %get3A_19 = arith.index_cast %mul3A_18 : i32 to index
      %get3A_20 = tpu.vector_load %arg7[%get3A_19] {strides = array<i32>} : memref<5120xi32, #tpu.memory_space<vmem>>, vector<16xi32>,
      tpu.vector_store_idx %arg9[%get3A_20], %broadcast_in_dim3A_7 {add = true} : memref<10240xf32, #tpu.memory_space<vmem>>[vector<16xi32>], vector<16xf32>,
    }
    %scan3A_12 = arith.constant 320 : i32
    "tpu.region"() ({
      %run_scoped3A = tpu.sem_alloc : memref<!tpu.dma_semaphore, #tpu.memory_space<semaphore_mem>>
      %dma_start3A = arith.constant 0 : i32
      %dma_start3A_13 = tpu.memref_slice %arg4[%add3A, %dma_start3A] : memref<32x10240xf32, #tpu.memory_space<hbm>> -> memref<1x10240xf32, #tpu.memory_space<hbm>>
      %dma_start3A_14 = tpu.memref_squeeze %dma_start3A_13 : memref<1x10240xf32, #tpu.memory_space<hbm>> -> memref<10240xf32, #tpu.memory_space<hbm>>
      %dma_start3A_15 = arith.constant 0 : i32
      %dma_start3A_16 = tpu.memref_slice %arg4[%add3A, %dma_start3A_15] : memref<32x10240xf32, #tpu.memory_space<hbm>> -> memref<1x10240xf32, #tpu.memory_space<hbm>>
      %dma_start3A_17 = tpu.memref_squeeze %dma_start3A_16 : memref<1x10240xf32, #tpu.memory_space<hbm>> -> memref<10240xf32, #tpu.memory_space<hbm>>
      tpu.enqueue_dma source(%arg8 : memref<10240xf32, #tpu.memory_space<vmem>>) target(%dma_start3A_17 : memref<10240xf32, #tpu.memory_space<hbm>>) target_semaphore(%run_scoped3A : memref<!tpu.dma_semaphore, #tpu.memory_space<semaphore_mem>>)
      %dma_wait3A = arith.constant 0 : i32
      %dma_wait3A_18 = tpu.memref_slice %arg4[%add3A, %dma_wait3A] : memref<32x10240xf32, #tpu.memory_space<hbm>> -> memref<1x10240xf32, #tpu.memory_space<hbm>>
      %dma_wait3A_19 = tpu.memref_squeeze %dma_wait3A_18 : memref<1x10240xf32, #tpu.memory_space<hbm>> -> memref<10240xf32, #tpu.memory_space<hbm>>
      %dma_wait3A_20 = arith.constant 0 : i32
      %dma_wait3A_21 = tpu.memref_slice %arg4[%add3A, %dma_wait3A_20] : memref<32x10240xf32, #tpu.memory_space<hbm>> -> memref<1x10240xf32, #tpu.memory_space<hbm>>
      %dma_wait3A_22 = tpu.memref_squeeze %dma_wait3A_21 : memref<1x10240xf32, #tpu.memory_space<hbm>> -> memref<10240xf32, #tpu.memory_space<hbm>>
      tpu.wait_dma2 semaphore(%run_scoped3A : memref<!tpu.dma_semaphore, #tpu.memory_space<semaphore_mem>>) src(%arg8 : memref<10240xf32, #tpu.memory_space<vmem>>) dst(%dma_wait3A_22 : memref<10240xf32, #tpu.memory_space<hbm>>)
      tpu.yield
    }) : () -> ()
    "tpu.region"() ({
      %run_scoped3A = tpu.sem_alloc : memref<!tpu.dma_semaphore, #tpu.memory_space<semaphore_mem>>
      %dma_start3A = arith.constant 0 : i32
      %dma_start3A_13 = tpu.memref_slice %arg5[%add3A, %dma_start3A] : memref<32x10240xf32, #tpu.memory_space<hbm>> -> memref<1x10240xf32, #tpu.memory_space<hbm>>
      %dma_start3A_14 = tpu.memref_squeeze %dma_start3A_13 : memref<1x10240xf32, #tpu.memory_space<hbm>> -> memref<10240xf32, #tpu.memory_space<hbm>>
      %dma_start3A_15 = arith.constant 0 : i32
      %dma_start3A_16 = tpu.memref_slice %arg5[%add3A, %dma_start3A_15] : memref<32x10240xf32, #tpu.memory_space<hbm>> -> memref<1x10240xf32, #tpu.memory_space<hbm>>
      %dma_start3A_17 = tpu.memref_squeeze %dma_start3A_16 : memref<1x10240xf32, #tpu.memory_space<hbm>> -> memref<10240xf32, #tpu.memory_space<hbm>>
      tpu.enqueue_dma source(%arg9 : memref<10240xf32, #tpu.memory_space<vmem>>) target(%dma_start3A_17 : memref<10240xf32, #tpu.memory_space<hbm>>) target_semaphore(%run_scoped3A : memref<!tpu.dma_semaphore, #tpu.memory_space<semaphore_mem>>)
      %dma_wait3A = arith.constant 0 : i32
      %dma_wait3A_18 = tpu.memref_slice %arg5[%add3A, %dma_wait3A] : memref<32x10240xf32, #tpu.memory_space<hbm>> -> memref<1x10240xf32, #tpu.memory_space<hbm>>
      %dma_wait3A_19 = tpu.memref_squeeze %dma_wait3A_18 : memref<1x10240xf32, #tpu.memory_space<hbm>> -> memref<10240xf32, #tpu.memory_space<hbm>>
      %dma_wait3A_20 = arith.constant 0 : i32
      %dma_wait3A_21 = tpu.memref_slice %arg5[%add3A, %dma_wait3A_20] : memref<32x10240xf32, #tpu.memory_space<hbm>> -> memref<1x10240xf32, #tpu.memory_space<hbm>>
      %dma_wait3A_22 = tpu.memref_squeeze %dma_wait3A_21 : memref<1x10240xf32, #tpu.memory_space<hbm>> -> memref<10240xf32, #tpu.memory_space<hbm>>
      tpu.wait_dma2 semaphore(%run_scoped3A : memref<!tpu.dma_semaphore, #tpu.memory_space<semaphore_mem>>) src(%arg9 : memref<10240xf32, #tpu.memory_space<vmem>>) dst(%dma_wait3A_22 : memref<10240xf32, #tpu.memory_space<hbm>>)
      tpu.yield
    }) : () -> ()
    return
  }
}

#map = affine_map<(d0, d1) -> (0, 0)>
#map1 = affine_map<(d0, d1) -> (0, 0, 0, 0)>
module attributes {stable_mosaic.version = 14 : i64} {
  func.func @_sc_propagate_body(%arg0: i32, %arg1: i32, %arg2: memref<20480x128xf32, #tpu.memory_space<hbm>>, %arg3: memref<16x2x40x128xi32, #tpu.memory_space<hbm>>, %arg4: memref<16x2x40x128xi32, #tpu.memory_space<hbm>>, %arg5: memref<16x2x40x128xi32, #tpu.memory_space<hbm>>, %arg6: memref<20480x128xf32, #tpu.memory_space<hbm>>, %arg7: memref<40x128xi32, #tpu.memory_space<vmem>>, %arg8: memref<40x128xi32, #tpu.memory_space<vmem>>, %arg9: memref<128x128xf32, #tpu.memory_space<vmem>>, %arg10: memref<128x128xf32, #tpu.memory_space<vmem>>, %arg11: memref<10240x128xf32, #tpu.memory_space<vmem_shared>>, %arg12: memref<!tpu.dma_semaphore, #tpu.memory_space<semaphore_mem>>, %arg13: memref<!tpu.dma_semaphore, #tpu.memory_space<semaphore_mem>>) attributes {dimension_semantics = [#tpu.dimension_semantics<core_parallel>, #tpu.dimension_semantics<subcore_parallel>], iteration_bounds = array<i64: 2, 16>, scalar_prefetch = 0 : i64, scratch_operands = 7 : i64, tpu.core_type = #tpu.core_type<sc_vector_subcore>, window_params = [{transform_indices = #map}, {transform_indices = #map1}, {transform_indices = #map1}, {transform_indices = #map1}, {transform_indices = #map}]} {
    %broadcast_in_dim3A = arith.constant 0.000000e+00 : f32
    %broadcast_in_dim3A_0 = vector.broadcast %broadcast_in_dim3A : f32 to vector<16xf32>
    %scan3A = arith.constant 0 : i32
    %scan3A_1 = arith.constant 1024 : i32
    %scan3A_2 = arith.addi %scan3A, %scan3A_1 : i32
    %scan3A_3 = arith.constant 1 : i32
    scf.for %scan3A_24 = %scan3A to %scan3A_2 step %scan3A_3  : i32 {
      %jit3A = arith.constant 8 : i32
      %div3A = arith.divsi %scan3A_24, %jit3A : i32
      %sign3A = arith.constant 0 : i32
      %sign3A_25 = arith.cmpi sgt, %scan3A_24, %sign3A : i32
      %sign3A_26 = arith.extui %sign3A_25 : i1 to i32
      %sign3A_27 = arith.constant 0 : i32
      %sign3A_28 = arith.cmpi slt, %scan3A_24, %sign3A_27 : i32
      %sign3A_29 = arith.extui %sign3A_28 : i1 to i32
      %sign3A_30 = arith.subi %sign3A_26, %sign3A_29 : i32
      %sign3A_31 = arith.constant 0 : i32
      %sign3A_32 = arith.cmpi sgt, %jit3A, %sign3A_31 : i32
      %sign3A_33 = arith.extui %sign3A_32 : i1 to i32
      %sign3A_34 = arith.constant 0 : i32
      %sign3A_35 = arith.cmpi slt, %jit3A, %sign3A_34 : i32
      %sign3A_36 = arith.extui %sign3A_35 : i1 to i32
      %sign3A_37 = arith.subi %sign3A_33, %sign3A_36 : i32
      %ne3A = arith.cmpi ne, %sign3A_30, %sign3A_37 : i32
      %rem3A = arith.remsi %scan3A_24, %jit3A : i32
      %ne3A_38 = arith.constant 0 : i32
      %ne3A_39 = arith.cmpi ne, %rem3A, %ne3A_38 : i32
      %and3A = arith.andi %ne3A, %ne3A_39 : i1
      %sub3A = arith.constant 1 : i32
      %sub3A_40 = arith.subi %div3A, %sub3A : i32
      %select_n3A = arith.select %and3A, %sub3A_40, %div3A : i32
      %jit3A_41 = arith.constant 8 : i32
      %eq3A = arith.constant 0 : i32
      %eq3A_42 = arith.cmpi eq, %jit3A_41, %eq3A : i32
      %jit3A_43 = arith.constant 1 : i32
      %select_n3A_44 = arith.select %eq3A_42, %jit3A_43, %jit3A_41 : i32
      %rem3A_45 = arith.remsi %scan3A_24, %select_n3A_44 : i32
      %ne3A_46 = arith.constant 0 : i32
      %ne3A_47 = arith.cmpi ne, %rem3A_45, %ne3A_46 : i32
      %lt3A = arith.constant 0 : i32
      %lt3A_48 = arith.cmpi slt, %rem3A_45, %lt3A : i32
      %lt3A_49 = arith.constant 0 : i32
      %lt3A_50 = arith.cmpi slt, %select_n3A_44, %lt3A_49 : i32
      %ne3A_51 = arith.xori %lt3A_48, %lt3A_50 : i1
      %and3A_52 = arith.andi %ne3A_51, %ne3A_47 : i1
      %add3A_53 = arith.addi %rem3A_45, %select_n3A_44 : i32
      %select_n3A_54 = arith.select %and3A_52, %add3A_53, %rem3A_45 : i32
      %mul3A_55 = arith.constant 16 : i32
      %mul3A_56 = arith.muli %select_n3A_54, %mul3A_55 : i32
      %swap3A = arith.index_cast %select_n3A : i32 to index
      %swap3A_57 = arith.index_cast %mul3A_56 : i32 to index
      %swap3A_58 = tpu.vector_load %arg9[%swap3A, %swap3A_57] {strides = array<i32>} : memref<128x128xf32, #tpu.memory_space<vmem>>, vector<16xf32>,
      tpu.vector_store %arg9[%swap3A, %swap3A_57], %broadcast_in_dim3A_0 {strides = array<i32>} : memref<128x128xf32, #tpu.memory_space<vmem>>, vector<16xf32>,
    }
    %scan3A_4 = arith.constant 1024 : i32
    %mul3A = arith.constant 640 : i32
    %mul3A_5 = arith.muli %arg1, %mul3A : i32
    %add3A = arith.constant 0 : i32
    %add3A_6 = arith.addi %mul3A_5, %add3A : i32
    "tpu.region"() ({
      %run_scoped3A = tpu.sem_alloc : memref<!tpu.dma_semaphore, #tpu.memory_space<semaphore_mem>>
      %dma_start3A = arith.constant 0 : i32
      %dma_start3A_24 = tpu.memref_slice %arg11[%add3A_6, %dma_start3A] : memref<10240x128xf32, #tpu.memory_space<vmem_shared>> -> memref<128x128xf32, #tpu.memory_space<vmem_shared>>
      %dma_start3A_25 = arith.constant 0 : i32
      %dma_start3A_26 = tpu.memref_slice %arg11[%add3A_6, %dma_start3A_25] : memref<10240x128xf32, #tpu.memory_space<vmem_shared>> -> memref<128x128xf32, #tpu.memory_space<vmem_shared>>
      tpu.enqueue_dma source(%arg9 : memref<128x128xf32, #tpu.memory_space<vmem>>) target(%dma_start3A_26 : memref<128x128xf32, #tpu.memory_space<vmem_shared>>) target_semaphore(%run_scoped3A : memref<!tpu.dma_semaphore, #tpu.memory_space<semaphore_mem>>)
      %dma_wait3A = arith.constant 0 : i32
      %dma_wait3A_27 = tpu.memref_slice %arg11[%add3A_6, %dma_wait3A] : memref<10240x128xf32, #tpu.memory_space<vmem_shared>> -> memref<128x128xf32, #tpu.memory_space<vmem_shared>>
      %dma_wait3A_28 = arith.constant 0 : i32
      %dma_wait3A_29 = tpu.memref_slice %arg11[%add3A_6, %dma_wait3A_28] : memref<10240x128xf32, #tpu.memory_space<vmem_shared>> -> memref<128x128xf32, #tpu.memory_space<vmem_shared>>
      tpu.wait_dma2 semaphore(%run_scoped3A : memref<!tpu.dma_semaphore, #tpu.memory_space<semaphore_mem>>) src(%arg9 : memref<128x128xf32, #tpu.memory_space<vmem>>) dst(%dma_wait3A_29 : memref<128x128xf32, #tpu.memory_space<vmem_shared>>)
      tpu.yield
    }) : () -> ()
    %add3A_7 = arith.constant 128 : i32
    %add3A_8 = arith.addi %mul3A_5, %add3A_7 : i32
    "tpu.region"() ({
      %run_scoped3A = tpu.sem_alloc : memref<!tpu.dma_semaphore, #tpu.memory_space<semaphore_mem>>
      %dma_start3A = arith.constant 0 : i32
      %dma_start3A_24 = tpu.memref_slice %arg11[%add3A_8, %dma_start3A] : memref<10240x128xf32, #tpu.memory_space<vmem_shared>> -> memref<128x128xf32, #tpu.memory_space<vmem_shared>>
      %dma_start3A_25 = arith.constant 0 : i32
      %dma_start3A_26 = tpu.memref_slice %arg11[%add3A_8, %dma_start3A_25] : memref<10240x128xf32, #tpu.memory_space<vmem_shared>> -> memref<128x128xf32, #tpu.memory_space<vmem_shared>>
      tpu.enqueue_dma source(%arg9 : memref<128x128xf32, #tpu.memory_space<vmem>>) target(%dma_start3A_26 : memref<128x128xf32, #tpu.memory_space<vmem_shared>>) target_semaphore(%run_scoped3A : memref<!tpu.dma_semaphore, #tpu.memory_space<semaphore_mem>>)
      %dma_wait3A = arith.constant 0 : i32
      %dma_wait3A_27 = tpu.memref_slice %arg11[%add3A_8, %dma_wait3A] : memref<10240x128xf32, #tpu.memory_space<vmem_shared>> -> memref<128x128xf32, #tpu.memory_space<vmem_shared>>
      %dma_wait3A_28 = arith.constant 0 : i32
      %dma_wait3A_29 = tpu.memref_slice %arg11[%add3A_8, %dma_wait3A_28] : memref<10240x128xf32, #tpu.memory_space<vmem_shared>> -> memref<128x128xf32, #tpu.memory_space<vmem_shared>>
      tpu.wait_dma2 semaphore(%run_scoped3A : memref<!tpu.dma_semaphore, #tpu.memory_space<semaphore_mem>>) src(%arg9 : memref<128x128xf32, #tpu.memory_space<vmem>>) dst(%dma_wait3A_29 : memref<128x128xf32, #tpu.memory_space<vmem_shared>>)
      tpu.yield
    }) : () -> ()
    %add3A_9 = arith.constant 256 : i32
    %add3A_10 = arith.addi %mul3A_5, %add3A_9 : i32
    "tpu.region"() ({
      %run_scoped3A = tpu.sem_alloc : memref<!tpu.dma_semaphore, #tpu.memory_space<semaphore_mem>>
      %dma_start3A = arith.constant 0 : i32
      %dma_start3A_24 = tpu.memref_slice %arg11[%add3A_10, %dma_start3A] : memref<10240x128xf32, #tpu.memory_space<vmem_shared>> -> memref<128x128xf32, #tpu.memory_space<vmem_shared>>
      %dma_start3A_25 = arith.constant 0 : i32
      %dma_start3A_26 = tpu.memref_slice %arg11[%add3A_10, %dma_start3A_25] : memref<10240x128xf32, #tpu.memory_space<vmem_shared>> -> memref<128x128xf32, #tpu.memory_space<vmem_shared>>
      tpu.enqueue_dma source(%arg9 : memref<128x128xf32, #tpu.memory_space<vmem>>) target(%dma_start3A_26 : memref<128x128xf32, #tpu.memory_space<vmem_shared>>) target_semaphore(%run_scoped3A : memref<!tpu.dma_semaphore, #tpu.memory_space<semaphore_mem>>)
      %dma_wait3A = arith.constant 0 : i32
      %dma_wait3A_27 = tpu.memref_slice %arg11[%add3A_10, %dma_wait3A] : memref<10240x128xf32, #tpu.memory_space<vmem_shared>> -> memref<128x128xf32, #tpu.memory_space<vmem_shared>>
      %dma_wait3A_28 = arith.constant 0 : i32
      %dma_wait3A_29 = tpu.memref_slice %arg11[%add3A_10, %dma_wait3A_28] : memref<10240x128xf32, #tpu.memory_space<vmem_shared>> -> memref<128x128xf32, #tpu.memory_space<vmem_shared>>
      tpu.wait_dma2 semaphore(%run_scoped3A : memref<!tpu.dma_semaphore, #tpu.memory_space<semaphore_mem>>) src(%arg9 : memref<128x128xf32, #tpu.memory_space<vmem>>) dst(%dma_wait3A_29 : memref<128x128xf32, #tpu.memory_space<vmem_shared>>)
      tpu.yield
    }) : () -> ()
    %add3A_11 = arith.constant 384 : i32
    %add3A_12 = arith.addi %mul3A_5, %add3A_11 : i32
    "tpu.region"() ({
      %run_scoped3A = tpu.sem_alloc : memref<!tpu.dma_semaphore, #tpu.memory_space<semaphore_mem>>
      %dma_start3A = arith.constant 0 : i32
      %dma_start3A_24 = tpu.memref_slice %arg11[%add3A_12, %dma_start3A] : memref<10240x128xf32, #tpu.memory_space<vmem_shared>> -> memref<128x128xf32, #tpu.memory_space<vmem_shared>>
      %dma_start3A_25 = arith.constant 0 : i32
      %dma_start3A_26 = tpu.memref_slice %arg11[%add3A_12, %dma_start3A_25] : memref<10240x128xf32, #tpu.memory_space<vmem_shared>> -> memref<128x128xf32, #tpu.memory_space<vmem_shared>>
      tpu.enqueue_dma source(%arg9 : memref<128x128xf32, #tpu.memory_space<vmem>>) target(%dma_start3A_26 : memref<128x128xf32, #tpu.memory_space<vmem_shared>>) target_semaphore(%run_scoped3A : memref<!tpu.dma_semaphore, #tpu.memory_space<semaphore_mem>>)
      %dma_wait3A = arith.constant 0 : i32
      %dma_wait3A_27 = tpu.memref_slice %arg11[%add3A_12, %dma_wait3A] : memref<10240x128xf32, #tpu.memory_space<vmem_shared>> -> memref<128x128xf32, #tpu.memory_space<vmem_shared>>
      %dma_wait3A_28 = arith.constant 0 : i32
      %dma_wait3A_29 = tpu.memref_slice %arg11[%add3A_12, %dma_wait3A_28] : memref<10240x128xf32, #tpu.memory_space<vmem_shared>> -> memref<128x128xf32, #tpu.memory_space<vmem_shared>>
      tpu.wait_dma2 semaphore(%run_scoped3A : memref<!tpu.dma_semaphore, #tpu.memory_space<semaphore_mem>>) src(%arg9 : memref<128x128xf32, #tpu.memory_space<vmem>>) dst(%dma_wait3A_29 : memref<128x128xf32, #tpu.memory_space<vmem_shared>>)
      tpu.yield
    }) : () -> ()
    %add3A_13 = arith.constant 512 : i32
    %add3A_14 = arith.addi %mul3A_5, %add3A_13 : i32
    "tpu.region"() ({
      %run_scoped3A = tpu.sem_alloc : memref<!tpu.dma_semaphore, #tpu.memory_space<semaphore_mem>>
      %dma_start3A = arith.constant 0 : i32
      %dma_start3A_24 = tpu.memref_slice %arg11[%add3A_14, %dma_start3A] : memref<10240x128xf32, #tpu.memory_space<vmem_shared>> -> memref<128x128xf32, #tpu.memory_space<vmem_shared>>
      %dma_start3A_25 = arith.constant 0 : i32
      %dma_start3A_26 = tpu.memref_slice %arg11[%add3A_14, %dma_start3A_25] : memref<10240x128xf32, #tpu.memory_space<vmem_shared>> -> memref<128x128xf32, #tpu.memory_space<vmem_shared>>
      tpu.enqueue_dma source(%arg9 : memref<128x128xf32, #tpu.memory_space<vmem>>) target(%dma_start3A_26 : memref<128x128xf32, #tpu.memory_space<vmem_shared>>) target_semaphore(%run_scoped3A : memref<!tpu.dma_semaphore, #tpu.memory_space<semaphore_mem>>)
      %dma_wait3A = arith.constant 0 : i32
      %dma_wait3A_27 = tpu.memref_slice %arg11[%add3A_14, %dma_wait3A] : memref<10240x128xf32, #tpu.memory_space<vmem_shared>> -> memref<128x128xf32, #tpu.memory_space<vmem_shared>>
      %dma_wait3A_28 = arith.constant 0 : i32
      %dma_wait3A_29 = tpu.memref_slice %arg11[%add3A_14, %dma_wait3A_28] : memref<10240x128xf32, #tpu.memory_space<vmem_shared>> -> memref<128x128xf32, #tpu.memory_space<vmem_shared>>
      tpu.wait_dma2 semaphore(%run_scoped3A : memref<!tpu.dma_semaphore, #tpu.memory_space<semaphore_mem>>) src(%arg9 : memref<128x128xf32, #tpu.memory_space<vmem>>) dst(%dma_wait3A_29 : memref<128x128xf32, #tpu.memory_space<vmem_shared>>)
      tpu.yield
    }) : () -> ()
    %barrier3A = arith.constant 0 : index
    tpu.barrier barrier_id(%barrier3A)
    %scan3A_15 = arith.constant 0 : i32
    %scan3A_16 = arith.constant 2 : i32
    %scan3A_17 = arith.addi %scan3A_15, %scan3A_16 : i32
    %scan3A_18 = arith.constant 1 : i32
    scf.for %scan3A_24 = %scan3A_15 to %scan3A_17 step %scan3A_18  : i32 {
      %eq3A = arith.constant 0 : i32
      %eq3A_25 = arith.cmpi eq, %arg0, %eq3A : i32
      %convert_element_type3A = arith.extui %eq3A_25 : i1 to i32
      %cond3A = arith.constant 0 : i32
      %cond3A_26 = arith.cmpi ne, %convert_element_type3A, %cond3A : i32
      scf.if %cond3A_26 {
        "tpu.region"() ({
          %run_scoped3A = tpu.sem_alloc : memref<!tpu.dma_semaphore, #tpu.memory_space<semaphore_mem>>
          %dma_start3A_43 = arith.constant 0 : i32
          %dma_start3A_44 = arith.constant 0 : i32
          %dma_start3A_45 = tpu.memref_slice %arg3[%arg1, %scan3A_24, %dma_start3A_43, %dma_start3A_44] : memref<16x2x40x128xi32, #tpu.memory_space<hbm>> -> memref<1x1x40x128xi32, #tpu.memory_space<hbm>>
          %dma_start3A_46 = tpu.memref_squeeze %dma_start3A_45 : memref<1x1x40x128xi32, #tpu.memory_space<hbm>> -> memref<40x128xi32, #tpu.memory_space<hbm>>
          %dma_start3A_47 = arith.constant 0 : i32
          %dma_start3A_48 = arith.constant 0 : i32
          %dma_start3A_49 = tpu.memref_slice %arg3[%arg1, %scan3A_24, %dma_start3A_47, %dma_start3A_48] : memref<16x2x40x128xi32, #tpu.memory_space<hbm>> -> memref<1x1x40x128xi32, #tpu.memory_space<hbm>>
          %dma_start3A_50 = tpu.memref_squeeze %dma_start3A_49 : memref<1x1x40x128xi32, #tpu.memory_space<hbm>> -> memref<40x128xi32, #tpu.memory_space<hbm>>
          tpu.enqueue_dma source(%dma_start3A_50 : memref<40x128xi32, #tpu.memory_space<hbm>>) target(%arg7 : memref<40x128xi32, #tpu.memory_space<vmem>>) target_semaphore(%run_scoped3A : memref<!tpu.dma_semaphore, #tpu.memory_space<semaphore_mem>>)
          %dma_wait3A = arith.constant 0 : i32
          %dma_wait3A_51 = arith.constant 0 : i32
          %dma_wait3A_52 = tpu.memref_slice %arg3[%arg1, %scan3A_24, %dma_wait3A, %dma_wait3A_51] : memref<16x2x40x128xi32, #tpu.memory_space<hbm>> -> memref<1x1x40x128xi32, #tpu.memory_space<hbm>>
          %dma_wait3A_53 = tpu.memref_squeeze %dma_wait3A_52 : memref<1x1x40x128xi32, #tpu.memory_space<hbm>> -> memref<40x128xi32, #tpu.memory_space<hbm>>
          %dma_wait3A_54 = arith.constant 0 : i32
          %dma_wait3A_55 = arith.constant 0 : i32
          %dma_wait3A_56 = tpu.memref_slice %arg3[%arg1, %scan3A_24, %dma_wait3A_54, %dma_wait3A_55] : memref<16x2x40x128xi32, #tpu.memory_space<hbm>> -> memref<1x1x40x128xi32, #tpu.memory_space<hbm>>
          %dma_wait3A_57 = tpu.memref_squeeze %dma_wait3A_56 : memref<1x1x40x128xi32, #tpu.memory_space<hbm>> -> memref<40x128xi32, #tpu.memory_space<hbm>>
          tpu.wait_dma2 semaphore(%run_scoped3A : memref<!tpu.dma_semaphore, #tpu.memory_space<semaphore_mem>>) src(%dma_wait3A_57 : memref<40x128xi32, #tpu.memory_space<hbm>>) dst(%arg7 : memref<40x128xi32, #tpu.memory_space<vmem>>)
          tpu.yield
        }) : () -> ()
      } else {
      }
      %eq3A_27 = arith.constant 1 : i32
      %eq3A_28 = arith.cmpi eq, %arg0, %eq3A_27 : i32
      %convert_element_type3A_29 = arith.extui %eq3A_28 : i1 to i32
      %cond3A_30 = arith.constant 0 : i32
      %cond3A_31 = arith.cmpi ne, %convert_element_type3A_29, %cond3A_30 : i32
      scf.if %cond3A_31 {
        "tpu.region"() ({
          %run_scoped3A = tpu.sem_alloc : memref<!tpu.dma_semaphore, #tpu.memory_space<semaphore_mem>>
          %dma_start3A_43 = arith.constant 0 : i32
          %dma_start3A_44 = arith.constant 0 : i32
          %dma_start3A_45 = tpu.memref_slice %arg4[%arg1, %scan3A_24, %dma_start3A_43, %dma_start3A_44] : memref<16x2x40x128xi32, #tpu.memory_space<hbm>> -> memref<1x1x40x128xi32, #tpu.memory_space<hbm>>
          %dma_start3A_46 = tpu.memref_squeeze %dma_start3A_45 : memref<1x1x40x128xi32, #tpu.memory_space<hbm>> -> memref<40x128xi32, #tpu.memory_space<hbm>>
          %dma_start3A_47 = arith.constant 0 : i32
          %dma_start3A_48 = arith.constant 0 : i32
          %dma_start3A_49 = tpu.memref_slice %arg4[%arg1, %scan3A_24, %dma_start3A_47, %dma_start3A_48] : memref<16x2x40x128xi32, #tpu.memory_space<hbm>> -> memref<1x1x40x128xi32, #tpu.memory_space<hbm>>
          %dma_start3A_50 = tpu.memref_squeeze %dma_start3A_49 : memref<1x1x40x128xi32, #tpu.memory_space<hbm>> -> memref<40x128xi32, #tpu.memory_space<hbm>>
          tpu.enqueue_dma source(%dma_start3A_50 : memref<40x128xi32, #tpu.memory_space<hbm>>) target(%arg7 : memref<40x128xi32, #tpu.memory_space<vmem>>) target_semaphore(%run_scoped3A : memref<!tpu.dma_semaphore, #tpu.memory_space<semaphore_mem>>)
          %dma_wait3A = arith.constant 0 : i32
          %dma_wait3A_51 = arith.constant 0 : i32
          %dma_wait3A_52 = tpu.memref_slice %arg4[%arg1, %scan3A_24, %dma_wait3A, %dma_wait3A_51] : memref<16x2x40x128xi32, #tpu.memory_space<hbm>> -> memref<1x1x40x128xi32, #tpu.memory_space<hbm>>
          %dma_wait3A_53 = tpu.memref_squeeze %dma_wait3A_52 : memref<1x1x40x128xi32, #tpu.memory_space<hbm>> -> memref<40x128xi32, #tpu.memory_space<hbm>>
          %dma_wait3A_54 = arith.constant 0 : i32
          %dma_wait3A_55 = arith.constant 0 : i32
          %dma_wait3A_56 = tpu.memref_slice %arg4[%arg1, %scan3A_24, %dma_wait3A_54, %dma_wait3A_55] : memref<16x2x40x128xi32, #tpu.memory_space<hbm>> -> memref<1x1x40x128xi32, #tpu.memory_space<hbm>>
          %dma_wait3A_57 = tpu.memref_squeeze %dma_wait3A_56 : memref<1x1x40x128xi32, #tpu.memory_space<hbm>> -> memref<40x128xi32, #tpu.memory_space<hbm>>
          tpu.wait_dma2 semaphore(%run_scoped3A : memref<!tpu.dma_semaphore, #tpu.memory_space<semaphore_mem>>) src(%dma_wait3A_57 : memref<40x128xi32, #tpu.memory_space<hbm>>) dst(%arg7 : memref<40x128xi32, #tpu.memory_space<vmem>>)
          tpu.yield
        }) : () -> ()
      } else {
      }
      "tpu.region"() ({
        %run_scoped3A = tpu.sem_alloc : memref<!tpu.dma_semaphore, #tpu.memory_space<semaphore_mem>>
        %dma_start3A_43 = arith.constant 0 : i32
        %dma_start3A_44 = arith.constant 0 : i32
        %dma_start3A_45 = tpu.memref_slice %arg5[%arg1, %scan3A_24, %dma_start3A_43, %dma_start3A_44] : memref<16x2x40x128xi32, #tpu.memory_space<hbm>> -> memref<1x1x40x128xi32, #tpu.memory_space<hbm>>
        %dma_start3A_46 = tpu.memref_squeeze %dma_start3A_45 : memref<1x1x40x128xi32, #tpu.memory_space<hbm>> -> memref<40x128xi32, #tpu.memory_space<hbm>>
        %dma_start3A_47 = arith.constant 0 : i32
        %dma_start3A_48 = arith.constant 0 : i32
        %dma_start3A_49 = tpu.memref_slice %arg5[%arg1, %scan3A_24, %dma_start3A_47, %dma_start3A_48] : memref<16x2x40x128xi32, #tpu.memory_space<hbm>> -> memref<1x1x40x128xi32, #tpu.memory_space<hbm>>
        %dma_start3A_50 = tpu.memref_squeeze %dma_start3A_49 : memref<1x1x40x128xi32, #tpu.memory_space<hbm>> -> memref<40x128xi32, #tpu.memory_space<hbm>>
        tpu.enqueue_dma source(%dma_start3A_50 : memref<40x128xi32, #tpu.memory_space<hbm>>) target(%arg8 : memref<40x128xi32, #tpu.memory_space<vmem>>) target_semaphore(%run_scoped3A : memref<!tpu.dma_semaphore, #tpu.memory_space<semaphore_mem>>)
        %dma_wait3A = arith.constant 0 : i32
        %dma_wait3A_51 = arith.constant 0 : i32
        %dma_wait3A_52 = tpu.memref_slice %arg5[%arg1, %scan3A_24, %dma_wait3A, %dma_wait3A_51] : memref<16x2x40x128xi32, #tpu.memory_space<hbm>> -> memref<1x1x40x128xi32, #tpu.memory_space<hbm>>
        %dma_wait3A_53 = tpu.memref_squeeze %dma_wait3A_52 : memref<1x1x40x128xi32, #tpu.memory_space<hbm>> -> memref<40x128xi32, #tpu.memory_space<hbm>>
        %dma_wait3A_54 = arith.constant 0 : i32
        %dma_wait3A_55 = arith.constant 0 : i32
        %dma_wait3A_56 = tpu.memref_slice %arg5[%arg1, %scan3A_24, %dma_wait3A_54, %dma_wait3A_55] : memref<16x2x40x128xi32, #tpu.memory_space<hbm>> -> memref<1x1x40x128xi32, #tpu.memory_space<hbm>>
        %dma_wait3A_57 = tpu.memref_squeeze %dma_wait3A_56 : memref<1x1x40x128xi32, #tpu.memory_space<hbm>> -> memref<40x128xi32, #tpu.memory_space<hbm>>
        tpu.wait_dma2 semaphore(%run_scoped3A : memref<!tpu.dma_semaphore, #tpu.memory_space<semaphore_mem>>) src(%dma_wait3A_57 : memref<40x128xi32, #tpu.memory_space<hbm>>) dst(%arg8 : memref<40x128xi32, #tpu.memory_space<vmem>>)
        tpu.yield
      }) : () -> ()
      %dma_start3A = arith.constant 0 : i32
      %dma_start3A_32 = arith.constant 0 : i32
      %dma_start3A_33 = tpu.memref_slice %arg7[%dma_start3A, %dma_start3A_32] : memref<40x128xi32, #tpu.memory_space<vmem>> -> memref<1x128xi32, #tpu.memory_space<vmem>>
      %dma_start3A_34 = tpu.memref_squeeze %dma_start3A_33 : memref<1x128xi32, #tpu.memory_space<vmem>> -> memref<128xi32, #tpu.memory_space<vmem>>
      %dma_start3A_35 = arith.constant 0 : i32
      %dma_start3A_36 = arith.constant 0 : i32
      %dma_start3A_37 = tpu.memref_slice %arg2[%dma_start3A_35, %dma_start3A_36] : memref<20480x128xf32, #tpu.memory_space<hbm>> -> memref<20480x128xf32, #tpu.memory_space<hbm>>
      tpu.enqueue_indirect_dma source(%dma_start3A_37 : memref<20480x128xf32, #tpu.memory_space<hbm>>) target(%arg9 : memref<128x128xf32, #tpu.memory_space<vmem>>) offsets(%dma_start3A_34 : memref<128xi32, #tpu.memory_space<vmem>>) semaphore(%arg12 : memref<!tpu.dma_semaphore, #tpu.memory_space<semaphore_mem>>)
      %scan3A_38 = arith.constant 0 : i32
      %scan3A_39 = arith.constant 20 : i32
      %scan3A_40 = arith.addi %scan3A_38, %scan3A_39 : i32
      %scan3A_41 = arith.constant 1 : i32
      scf.for %scan3A_43 = %scan3A_38 to %scan3A_40 step %scan3A_41  : i32 {
        %mul3A_44 = arith.constant 2 : i32
        %mul3A_45 = arith.muli %mul3A_44, %scan3A_43 : i32
        %add3A_46 = arith.constant 1 : i32
        %add3A_47 = arith.addi %mul3A_45, %add3A_46 : i32
        %dma_start3A_48 = arith.constant 0 : i32
        %dma_start3A_49 = tpu.memref_slice %arg7[%add3A_47, %dma_start3A_48] : memref<40x128xi32, #tpu.memory_space<vmem>> -> memref<1x128xi32, #tpu.memory_space<vmem>>
        %dma_start3A_50 = tpu.memref_squeeze %dma_start3A_49 : memref<1x128xi32, #tpu.memory_space<vmem>> -> memref<128xi32, #tpu.memory_space<vmem>>
        %dma_start3A_51 = arith.constant 0 : i32
        %dma_start3A_52 = arith.constant 0 : i32
        %dma_start3A_53 = tpu.memref_slice %arg2[%dma_start3A_51, %dma_start3A_52] : memref<20480x128xf32, #tpu.memory_space<hbm>> -> memref<20480x128xf32, #tpu.memory_space<hbm>>
        tpu.enqueue_indirect_dma source(%dma_start3A_53 : memref<20480x128xf32, #tpu.memory_space<hbm>>) target(%arg10 : memref<128x128xf32, #tpu.memory_space<vmem>>) offsets(%dma_start3A_50 : memref<128xi32, #tpu.memory_space<vmem>>) semaphore(%arg13 : memref<!tpu.dma_semaphore, #tpu.memory_space<semaphore_mem>>)
        %dma_wait3A = arith.constant 0 : i32
        %dma_wait3A_54 = arith.constant 0 : i32
        %dma_wait3A_55 = tpu.memref_slice %arg7[%dma_wait3A, %dma_wait3A_54] : memref<40x128xi32, #tpu.memory_space<vmem>> -> memref<1x128xi32, #tpu.memory_space<vmem>>
        %dma_wait3A_56 = tpu.memref_squeeze %dma_wait3A_55 : memref<1x128xi32, #tpu.memory_space<vmem>> -> memref<128xi32, #tpu.memory_space<vmem>>
        %dma_wait3A_57 = arith.constant 0 : i32
        %dma_wait3A_58 = arith.constant 0 : i32
        %dma_wait3A_59 = tpu.memref_slice %arg2[%dma_wait3A_57, %dma_wait3A_58] : memref<20480x128xf32, #tpu.memory_space<hbm>> -> memref<20480x128xf32, #tpu.memory_space<hbm>>
        tpu.wait_indirect_dma semaphore(%arg12 : memref<!tpu.dma_semaphore, #tpu.memory_space<semaphore_mem>>) src(%dma_wait3A_59 : memref<20480x128xf32, #tpu.memory_space<hbm>>) dst(%arg9 : memref<128x128xf32, #tpu.memory_space<vmem>>)
        "tpu.region"() ({
          %run_scoped3A = tpu.sem_alloc : memref<!tpu.dma_semaphore, #tpu.memory_space<semaphore_mem>>
          %dma_start3A_75 = arith.constant 0 : i32
          %dma_start3A_76 = tpu.memref_slice %arg8[%mul3A_45, %dma_start3A_75] : memref<40x128xi32, #tpu.memory_space<vmem>> -> memref<1x128xi32, #tpu.memory_space<vmem>>
          %dma_start3A_77 = tpu.memref_squeeze %dma_start3A_76 : memref<1x128xi32, #tpu.memory_space<vmem>> -> memref<128xi32, #tpu.memory_space<vmem>>
          %dma_start3A_78 = arith.constant 0 : i32
          %dma_start3A_79 = arith.constant 0 : i32
          %dma_start3A_80 = tpu.memref_slice %arg11[%dma_start3A_78, %dma_start3A_79] : memref<10240x128xf32, #tpu.memory_space<vmem_shared>> -> memref<10240x128xf32, #tpu.memory_space<vmem_shared>>
          tpu.enqueue_indirect_dma source(%arg9 : memref<128x128xf32, #tpu.memory_space<vmem>>) target(%dma_start3A_80 : memref<10240x128xf32, #tpu.memory_space<vmem_shared>>) offsets(%dma_start3A_77 : memref<128xi32, #tpu.memory_space<vmem>>) semaphore(%run_scoped3A : memref<!tpu.dma_semaphore, #tpu.memory_space<semaphore_mem>>) {add = true}
          %dma_wait3A_81 = arith.constant 0 : i32
          %dma_wait3A_82 = tpu.memref_slice %arg8[%mul3A_45, %dma_wait3A_81] : memref<40x128xi32, #tpu.memory_space<vmem>> -> memref<1x128xi32, #tpu.memory_space<vmem>>
          %dma_wait3A_83 = tpu.memref_squeeze %dma_wait3A_82 : memref<1x128xi32, #tpu.memory_space<vmem>> -> memref<128xi32, #tpu.memory_space<vmem>>
          %dma_wait3A_84 = arith.constant 0 : i32
          %dma_wait3A_85 = arith.constant 0 : i32
          %dma_wait3A_86 = tpu.memref_slice %arg11[%dma_wait3A_84, %dma_wait3A_85] : memref<10240x128xf32, #tpu.memory_space<vmem_shared>> -> memref<10240x128xf32, #tpu.memory_space<vmem_shared>>
          tpu.wait_indirect_dma semaphore(%run_scoped3A : memref<!tpu.dma_semaphore, #tpu.memory_space<semaphore_mem>>) src(%arg9 : memref<128x128xf32, #tpu.memory_space<vmem>>) dst(%dma_wait3A_86 : memref<10240x128xf32, #tpu.memory_space<vmem_shared>>)
          tpu.yield
        }) : () -> ()
        %add3A_60 = arith.constant 2 : i32
        %add3A_61 = arith.addi %mul3A_45, %add3A_60 : i32
        %lt3A = arith.constant 40 : i32
        %lt3A_62 = arith.cmpi slt, %add3A_61, %lt3A : i32
        %convert_element_type3A_63 = arith.extui %lt3A_62 : i1 to i32
        %cond3A_64 = arith.constant 0 : i32
        %cond3A_65 = arith.cmpi ne, %convert_element_type3A_63, %cond3A_64 : i32
        scf.if %cond3A_65 {
          %add3A_75 = arith.constant 2 : i32
          %add3A_76 = arith.addi %mul3A_45, %add3A_75 : i32
          %dma_start3A_77 = arith.constant 0 : i32
          %dma_start3A_78 = tpu.memref_slice %arg7[%add3A_76, %dma_start3A_77] : memref<40x128xi32, #tpu.memory_space<vmem>> -> memref<1x128xi32, #tpu.memory_space<vmem>>
          %dma_start3A_79 = tpu.memref_squeeze %dma_start3A_78 : memref<1x128xi32, #tpu.memory_space<vmem>> -> memref<128xi32, #tpu.memory_space<vmem>>
          %dma_start3A_80 = arith.constant 0 : i32
          %dma_start3A_81 = arith.constant 0 : i32
          %dma_start3A_82 = tpu.memref_slice %arg2[%dma_start3A_80, %dma_start3A_81] : memref<20480x128xf32, #tpu.memory_space<hbm>> -> memref<20480x128xf32, #tpu.memory_space<hbm>>
          tpu.enqueue_indirect_dma source(%dma_start3A_82 : memref<20480x128xf32, #tpu.memory_space<hbm>>) target(%arg9 : memref<128x128xf32, #tpu.memory_space<vmem>>) offsets(%dma_start3A_79 : memref<128xi32, #tpu.memory_space<vmem>>) semaphore(%arg12 : memref<!tpu.dma_semaphore, #tpu.memory_space<semaphore_mem>>)
        } else {
        }
        %dma_wait3A_66 = arith.constant 0 : i32
        %dma_wait3A_67 = arith.constant 0 : i32
        %dma_wait3A_68 = tpu.memref_slice %arg7[%dma_wait3A_66, %dma_wait3A_67] : memref<40x128xi32, #tpu.memory_space<vmem>> -> memref<1x128xi32, #tpu.memory_space<vmem>>
        %dma_wait3A_69 = tpu.memref_squeeze %dma_wait3A_68 : memref<1x128xi32, #tpu.memory_space<vmem>> -> memref<128xi32, #tpu.memory_space<vmem>>
        %dma_wait3A_70 = arith.constant 0 : i32
        %dma_wait3A_71 = arith.constant 0 : i32
        %dma_wait3A_72 = tpu.memref_slice %arg2[%dma_wait3A_70, %dma_wait3A_71] : memref<20480x128xf32, #tpu.memory_space<hbm>> -> memref<20480x128xf32, #tpu.memory_space<hbm>>
        tpu.wait_indirect_dma semaphore(%arg13 : memref<!tpu.dma_semaphore, #tpu.memory_space<semaphore_mem>>) src(%dma_wait3A_72 : memref<20480x128xf32, #tpu.memory_space<hbm>>) dst(%arg10 : memref<128x128xf32, #tpu.memory_space<vmem>>)
        %add3A_73 = arith.constant 1 : i32
        %add3A_74 = arith.addi %mul3A_45, %add3A_73 : i32
        "tpu.region"() ({
          %run_scoped3A = tpu.sem_alloc : memref<!tpu.dma_semaphore, #tpu.memory_space<semaphore_mem>>
          %dma_start3A_75 = arith.constant 0 : i32
          %dma_start3A_76 = tpu.memref_slice %arg8[%add3A_74, %dma_start3A_75] : memref<40x128xi32, #tpu.memory_space<vmem>> -> memref<1x128xi32, #tpu.memory_space<vmem>>
          %dma_start3A_77 = tpu.memref_squeeze %dma_start3A_76 : memref<1x128xi32, #tpu.memory_space<vmem>> -> memref<128xi32, #tpu.memory_space<vmem>>
          %dma_start3A_78 = arith.constant 0 : i32
          %dma_start3A_79 = arith.constant 0 : i32
          %dma_start3A_80 = tpu.memref_slice %arg11[%dma_start3A_78, %dma_start3A_79] : memref<10240x128xf32, #tpu.memory_space<vmem_shared>> -> memref<10240x128xf32, #tpu.memory_space<vmem_shared>>
          tpu.enqueue_indirect_dma source(%arg10 : memref<128x128xf32, #tpu.memory_space<vmem>>) target(%dma_start3A_80 : memref<10240x128xf32, #tpu.memory_space<vmem_shared>>) offsets(%dma_start3A_77 : memref<128xi32, #tpu.memory_space<vmem>>) semaphore(%run_scoped3A : memref<!tpu.dma_semaphore, #tpu.memory_space<semaphore_mem>>) {add = true}
          %dma_wait3A_81 = arith.constant 0 : i32
          %dma_wait3A_82 = tpu.memref_slice %arg8[%add3A_74, %dma_wait3A_81] : memref<40x128xi32, #tpu.memory_space<vmem>> -> memref<1x128xi32, #tpu.memory_space<vmem>>
          %dma_wait3A_83 = tpu.memref_squeeze %dma_wait3A_82 : memref<1x128xi32, #tpu.memory_space<vmem>> -> memref<128xi32, #tpu.memory_space<vmem>>
          %dma_wait3A_84 = arith.constant 0 : i32
          %dma_wait3A_85 = arith.constant 0 : i32
          %dma_wait3A_86 = tpu.memref_slice %arg11[%dma_wait3A_84, %dma_wait3A_85] : memref<10240x128xf32, #tpu.memory_space<vmem_shared>> -> memref<10240x128xf32, #tpu.memory_space<vmem_shared>>
          tpu.wait_indirect_dma semaphore(%run_scoped3A : memref<!tpu.dma_semaphore, #tpu.memory_space<semaphore_mem>>) src(%arg10 : memref<128x128xf32, #tpu.memory_space<vmem>>) dst(%dma_wait3A_86 : memref<10240x128xf32, #tpu.memory_space<vmem_shared>>)
          tpu.yield
        }) : () -> ()
      }
      %scan3A_42 = arith.constant 20 : i32
    }
    %scan3A_19 = arith.constant 2 : i32
    %barrier3A_20 = arith.constant 0 : index
    tpu.barrier barrier_id(%barrier3A_20)
    %mul3A_21 = arith.constant 10240 : i32
    %mul3A_22 = arith.muli %arg0, %mul3A_21 : i32
    %add3A_23 = arith.addi %mul3A_22, %mul3A_5 : i32
    "tpu.region"() ({
      %run_scoped3A = tpu.sem_alloc : memref<!tpu.dma_semaphore, #tpu.memory_space<semaphore_mem>>
      %dma_start3A = arith.constant 0 : i32
      %dma_start3A_24 = tpu.memref_slice %arg6[%add3A_23, %dma_start3A] : memref<20480x128xf32, #tpu.memory_space<hbm>> -> memref<640x128xf32, #tpu.memory_space<hbm>>
      %dma_start3A_25 = arith.constant 0 : i32
      %dma_start3A_26 = tpu.memref_slice %arg11[%mul3A_5, %dma_start3A_25] : memref<10240x128xf32, #tpu.memory_space<vmem_shared>> -> memref<640x128xf32, #tpu.memory_space<vmem_shared>>
      tpu.enqueue_dma source(%dma_start3A_26 : memref<640x128xf32, #tpu.memory_space<vmem_shared>>) target(%dma_start3A_24 : memref<640x128xf32, #tpu.memory_space<hbm>>) target_semaphore(%run_scoped3A : memref<!tpu.dma_semaphore, #tpu.memory_space<semaphore_mem>>)
      %dma_wait3A = arith.constant 0 : i32
      %dma_wait3A_27 = tpu.memref_slice %arg6[%add3A_23, %dma_wait3A] : memref<20480x128xf32, #tpu.memory_space<hbm>> -> memref<640x128xf32, #tpu.memory_space<hbm>>
      %dma_wait3A_28 = arith.constant 0 : i32
      %dma_wait3A_29 = tpu.memref_slice %arg11[%mul3A_5, %dma_wait3A_28] : memref<10240x128xf32, #tpu.memory_space<vmem_shared>> -> memref<640x128xf32, #tpu.memory_space<vmem_shared>>
      tpu.wait_dma2 semaphore(%run_scoped3A : memref<!tpu.dma_semaphore, #tpu.memory_space<semaphore_mem>>) src(%dma_wait3A_29 : memref<640x128xf32, #tpu.memory_space<vmem_shared>>) dst(%dma_wait3A_27 : memref<640x128xf32, #tpu.memory_space<hbm>>)
      tpu.yield
    }) : () -> ()
    return
  }
}

#map = affine_map<(d0, d1) -> (0, 0)>
#map1 = affine_map<(d0, d1) -> (0, 0, 0, 0)>
module attributes {stable_mosaic.version = 14 : i64} {
  func.func @_sc_propagate_body(%arg0: i32, %arg1: i32, %arg2: memref<20480x128xf32, #tpu.memory_space<hbm>>, %arg3: memref<16x2x40x128xi32, #tpu.memory_space<hbm>>, %arg4: memref<16x2x40x128xi32, #tpu.memory_space<hbm>>, %arg5: memref<16x2x40x128xi32, #tpu.memory_space<hbm>>, %arg6: memref<20480x128xf32, #tpu.memory_space<hbm>>, %arg7: memref<40x128xi32, #tpu.memory_space<vmem>>, %arg8: memref<40x128xi32, #tpu.memory_space<vmem>>, %arg9: memref<128x128xf32, #tpu.memory_space<vmem>>, %arg10: memref<128x128xf32, #tpu.memory_space<vmem>>, %arg11: memref<10240x128xf32, #tpu.memory_space<vmem_shared>>, %arg12: memref<!tpu.dma_semaphore, #tpu.memory_space<semaphore_mem>>, %arg13: memref<!tpu.dma_semaphore, #tpu.memory_space<semaphore_mem>>) attributes {dimension_semantics = [#tpu.dimension_semantics<core_parallel>, #tpu.dimension_semantics<subcore_parallel>], iteration_bounds = array<i64: 2, 16>, scalar_prefetch = 0 : i64, scratch_operands = 7 : i64, tpu.core_type = #tpu.core_type<sc_vector_subcore>, window_params = [{transform_indices = #map}, {transform_indices = #map1}, {transform_indices = #map1}, {transform_indices = #map1}, {transform_indices = #map}]} {
    %broadcast_in_dim3A = arith.constant 0.000000e+00 : f32
    %broadcast_in_dim3A_0 = vector.broadcast %broadcast_in_dim3A : f32 to vector<16xf32>
    %scan3A = arith.constant 0 : i32
    %scan3A_1 = arith.constant 1024 : i32
    %scan3A_2 = arith.addi %scan3A, %scan3A_1 : i32
    %scan3A_3 = arith.constant 1 : i32
    scf.for %scan3A_24 = %scan3A to %scan3A_2 step %scan3A_3  : i32 {
      %jit3A = arith.constant 8 : i32
      %div3A = arith.divsi %scan3A_24, %jit3A : i32
      %sign3A = arith.constant 0 : i32
      %sign3A_25 = arith.cmpi sgt, %scan3A_24, %sign3A : i32
      %sign3A_26 = arith.extui %sign3A_25 : i1 to i32
      %sign3A_27 = arith.constant 0 : i32
      %sign3A_28 = arith.cmpi slt, %scan3A_24, %sign3A_27 : i32
      %sign3A_29 = arith.extui %sign3A_28 : i1 to i32
      %sign3A_30 = arith.subi %sign3A_26, %sign3A_29 : i32
      %sign3A_31 = arith.constant 0 : i32
      %sign3A_32 = arith.cmpi sgt, %jit3A, %sign3A_31 : i32
      %sign3A_33 = arith.extui %sign3A_32 : i1 to i32
      %sign3A_34 = arith.constant 0 : i32
      %sign3A_35 = arith.cmpi slt, %jit3A, %sign3A_34 : i32
      %sign3A_36 = arith.extui %sign3A_35 : i1 to i32
      %sign3A_37 = arith.subi %sign3A_33, %sign3A_36 : i32
      %ne3A = arith.cmpi ne, %sign3A_30, %sign3A_37 : i32
      %rem3A = arith.remsi %scan3A_24, %jit3A : i32
      %ne3A_38 = arith.constant 0 : i32
      %ne3A_39 = arith.cmpi ne, %rem3A, %ne3A_38 : i32
      %and3A = arith.andi %ne3A, %ne3A_39 : i1
      %sub3A = arith.constant 1 : i32
      %sub3A_40 = arith.subi %div3A, %sub3A : i32
      %select_n3A = arith.select %and3A, %sub3A_40, %div3A : i32
      %jit3A_41 = arith.constant 8 : i32
      %eq3A = arith.constant 0 : i32
      %eq3A_42 = arith.cmpi eq, %jit3A_41, %eq3A : i32
      %jit3A_43 = arith.constant 1 : i32
      %select_n3A_44 = arith.select %eq3A_42, %jit3A_43, %jit3A_41 : i32
      %rem3A_45 = arith.remsi %scan3A_24, %select_n3A_44 : i32
      %ne3A_46 = arith.constant 0 : i32
      %ne3A_47 = arith.cmpi ne, %rem3A_45, %ne3A_46 : i32
      %lt3A = arith.constant 0 : i32
      %lt3A_48 = arith.cmpi slt, %rem3A_45, %lt3A : i32
      %lt3A_49 = arith.constant 0 : i32
      %lt3A_50 = arith.cmpi slt, %select_n3A_44, %lt3A_49 : i32
      %ne3A_51 = arith.xori %lt3A_48, %lt3A_50 : i1
      %and3A_52 = arith.andi %ne3A_51, %ne3A_47 : i1
      %add3A_53 = arith.addi %rem3A_45, %select_n3A_44 : i32
      %select_n3A_54 = arith.select %and3A_52, %add3A_53, %rem3A_45 : i32
      %mul3A_55 = arith.constant 16 : i32
      %mul3A_56 = arith.muli %select_n3A_54, %mul3A_55 : i32
      %swap3A = arith.index_cast %select_n3A : i32 to index
      %swap3A_57 = arith.index_cast %mul3A_56 : i32 to index
      %swap3A_58 = tpu.vector_load %arg9[%swap3A, %swap3A_57] {strides = array<i32>} : memref<128x128xf32, #tpu.memory_space<vmem>>, vector<16xf32>,
      tpu.vector_store %arg9[%swap3A, %swap3A_57], %broadcast_in_dim3A_0 {strides = array<i32>} : memref<128x128xf32, #tpu.memory_space<vmem>>, vector<16xf32>,
    }
    %scan3A_4 = arith.constant 1024 : i32
    %mul3A = arith.constant 640 : i32
    %mul3A_5 = arith.muli %arg1, %mul3A : i32
    %add3A = arith.constant 0 : i32
    %add3A_6 = arith.addi %mul3A_5, %add3A : i32
    "tpu.region"() ({
      %run_scoped3A = tpu.sem_alloc : memref<!tpu.dma_semaphore, #tpu.memory_space<semaphore_mem>>
      %dma_start3A = arith.constant 0 : i32
      %dma_start3A_24 = tpu.memref_slice %arg11[%add3A_6, %dma_start3A] : memref<10240x128xf32, #tpu.memory_space<vmem_shared>> -> memref<128x128xf32, #tpu.memory_space<vmem_shared>>
      %dma_start3A_25 = arith.constant 0 : i32
      %dma_start3A_26 = tpu.memref_slice %arg11[%add3A_6, %dma_start3A_25] : memref<10240x128xf32, #tpu.memory_space<vmem_shared>> -> memref<128x128xf32, #tpu.memory_space<vmem_shared>>
      tpu.enqueue_dma source(%arg9 : memref<128x128xf32, #tpu.memory_space<vmem>>) target(%dma_start3A_26 : memref<128x128xf32, #tpu.memory_space<vmem_shared>>) target_semaphore(%run_scoped3A : memref<!tpu.dma_semaphore, #tpu.memory_space<semaphore_mem>>)
      %dma_wait3A = arith.constant 0 : i32
      %dma_wait3A_27 = tpu.memref_slice %arg11[%add3A_6, %dma_wait3A] : memref<10240x128xf32, #tpu.memory_space<vmem_shared>> -> memref<128x128xf32, #tpu.memory_space<vmem_shared>>
      %dma_wait3A_28 = arith.constant 0 : i32
      %dma_wait3A_29 = tpu.memref_slice %arg11[%add3A_6, %dma_wait3A_28] : memref<10240x128xf32, #tpu.memory_space<vmem_shared>> -> memref<128x128xf32, #tpu.memory_space<vmem_shared>>
      tpu.wait_dma2 semaphore(%run_scoped3A : memref<!tpu.dma_semaphore, #tpu.memory_space<semaphore_mem>>) src(%arg9 : memref<128x128xf32, #tpu.memory_space<vmem>>) dst(%dma_wait3A_29 : memref<128x128xf32, #tpu.memory_space<vmem_shared>>)
      tpu.yield
    }) : () -> ()
    %add3A_7 = arith.constant 128 : i32
    %add3A_8 = arith.addi %mul3A_5, %add3A_7 : i32
    "tpu.region"() ({
      %run_scoped3A = tpu.sem_alloc : memref<!tpu.dma_semaphore, #tpu.memory_space<semaphore_mem>>
      %dma_start3A = arith.constant 0 : i32
      %dma_start3A_24 = tpu.memref_slice %arg11[%add3A_8, %dma_start3A] : memref<10240x128xf32, #tpu.memory_space<vmem_shared>> -> memref<128x128xf32, #tpu.memory_space<vmem_shared>>
      %dma_start3A_25 = arith.constant 0 : i32
      %dma_start3A_26 = tpu.memref_slice %arg11[%add3A_8, %dma_start3A_25] : memref<10240x128xf32, #tpu.memory_space<vmem_shared>> -> memref<128x128xf32, #tpu.memory_space<vmem_shared>>
      tpu.enqueue_dma source(%arg9 : memref<128x128xf32, #tpu.memory_space<vmem>>) target(%dma_start3A_26 : memref<128x128xf32, #tpu.memory_space<vmem_shared>>) target_semaphore(%run_scoped3A : memref<!tpu.dma_semaphore, #tpu.memory_space<semaphore_mem>>)
      %dma_wait3A = arith.constant 0 : i32
      %dma_wait3A_27 = tpu.memref_slice %arg11[%add3A_8, %dma_wait3A] : memref<10240x128xf32, #tpu.memory_space<vmem_shared>> -> memref<128x128xf32, #tpu.memory_space<vmem_shared>>
      %dma_wait3A_28 = arith.constant 0 : i32
      %dma_wait3A_29 = tpu.memref_slice %arg11[%add3A_8, %dma_wait3A_28] : memref<10240x128xf32, #tpu.memory_space<vmem_shared>> -> memref<128x128xf32, #tpu.memory_space<vmem_shared>>
      tpu.wait_dma2 semaphore(%run_scoped3A : memref<!tpu.dma_semaphore, #tpu.memory_space<semaphore_mem>>) src(%arg9 : memref<128x128xf32, #tpu.memory_space<vmem>>) dst(%dma_wait3A_29 : memref<128x128xf32, #tpu.memory_space<vmem_shared>>)
      tpu.yield
    }) : () -> ()
    %add3A_9 = arith.constant 256 : i32
    %add3A_10 = arith.addi %mul3A_5, %add3A_9 : i32
    "tpu.region"() ({
      %run_scoped3A = tpu.sem_alloc : memref<!tpu.dma_semaphore, #tpu.memory_space<semaphore_mem>>
      %dma_start3A = arith.constant 0 : i32
      %dma_start3A_24 = tpu.memref_slice %arg11[%add3A_10, %dma_start3A] : memref<10240x128xf32, #tpu.memory_space<vmem_shared>> -> memref<128x128xf32, #tpu.memory_space<vmem_shared>>
      %dma_start3A_25 = arith.constant 0 : i32
      %dma_start3A_26 = tpu.memref_slice %arg11[%add3A_10, %dma_start3A_25] : memref<10240x128xf32, #tpu.memory_space<vmem_shared>> -> memref<128x128xf32, #tpu.memory_space<vmem_shared>>
      tpu.enqueue_dma source(%arg9 : memref<128x128xf32, #tpu.memory_space<vmem>>) target(%dma_start3A_26 : memref<128x128xf32, #tpu.memory_space<vmem_shared>>) target_semaphore(%run_scoped3A : memref<!tpu.dma_semaphore, #tpu.memory_space<semaphore_mem>>)
      %dma_wait3A = arith.constant 0 : i32
      %dma_wait3A_27 = tpu.memref_slice %arg11[%add3A_10, %dma_wait3A] : memref<10240x128xf32, #tpu.memory_space<vmem_shared>> -> memref<128x128xf32, #tpu.memory_space<vmem_shared>>
      %dma_wait3A_28 = arith.constant 0 : i32
      %dma_wait3A_29 = tpu.memref_slice %arg11[%add3A_10, %dma_wait3A_28] : memref<10240x128xf32, #tpu.memory_space<vmem_shared>> -> memref<128x128xf32, #tpu.memory_space<vmem_shared>>
      tpu.wait_dma2 semaphore(%run_scoped3A : memref<!tpu.dma_semaphore, #tpu.memory_space<semaphore_mem>>) src(%arg9 : memref<128x128xf32, #tpu.memory_space<vmem>>) dst(%dma_wait3A_29 : memref<128x128xf32, #tpu.memory_space<vmem_shared>>)
      tpu.yield
    }) : () -> ()
    %add3A_11 = arith.constant 384 : i32
    %add3A_12 = arith.addi %mul3A_5, %add3A_11 : i32
    "tpu.region"() ({
      %run_scoped3A = tpu.sem_alloc : memref<!tpu.dma_semaphore, #tpu.memory_space<semaphore_mem>>
      %dma_start3A = arith.constant 0 : i32
      %dma_start3A_24 = tpu.memref_slice %arg11[%add3A_12, %dma_start3A] : memref<10240x128xf32, #tpu.memory_space<vmem_shared>> -> memref<128x128xf32, #tpu.memory_space<vmem_shared>>
      %dma_start3A_25 = arith.constant 0 : i32
      %dma_start3A_26 = tpu.memref_slice %arg11[%add3A_12, %dma_start3A_25] : memref<10240x128xf32, #tpu.memory_space<vmem_shared>> -> memref<128x128xf32, #tpu.memory_space<vmem_shared>>
      tpu.enqueue_dma source(%arg9 : memref<128x128xf32, #tpu.memory_space<vmem>>) target(%dma_start3A_26 : memref<128x128xf32, #tpu.memory_space<vmem_shared>>) target_semaphore(%run_scoped3A : memref<!tpu.dma_semaphore, #tpu.memory_space<semaphore_mem>>)
      %dma_wait3A = arith.constant 0 : i32
      %dma_wait3A_27 = tpu.memref_slice %arg11[%add3A_12, %dma_wait3A] : memref<10240x128xf32, #tpu.memory_space<vmem_shared>> -> memref<128x128xf32, #tpu.memory_space<vmem_shared>>
      %dma_wait3A_28 = arith.constant 0 : i32
      %dma_wait3A_29 = tpu.memref_slice %arg11[%add3A_12, %dma_wait3A_28] : memref<10240x128xf32, #tpu.memory_space<vmem_shared>> -> memref<128x128xf32, #tpu.memory_space<vmem_shared>>
      tpu.wait_dma2 semaphore(%run_scoped3A : memref<!tpu.dma_semaphore, #tpu.memory_space<semaphore_mem>>) src(%arg9 : memref<128x128xf32, #tpu.memory_space<vmem>>) dst(%dma_wait3A_29 : memref<128x128xf32, #tpu.memory_space<vmem_shared>>)
      tpu.yield
    }) : () -> ()
    %add3A_13 = arith.constant 512 : i32
    %add3A_14 = arith.addi %mul3A_5, %add3A_13 : i32
    "tpu.region"() ({
      %run_scoped3A = tpu.sem_alloc : memref<!tpu.dma_semaphore, #tpu.memory_space<semaphore_mem>>
      %dma_start3A = arith.constant 0 : i32
      %dma_start3A_24 = tpu.memref_slice %arg11[%add3A_14, %dma_start3A] : memref<10240x128xf32, #tpu.memory_space<vmem_shared>> -> memref<128x128xf32, #tpu.memory_space<vmem_shared>>
      %dma_start3A_25 = arith.constant 0 : i32
      %dma_start3A_26 = tpu.memref_slice %arg11[%add3A_14, %dma_start3A_25] : memref<10240x128xf32, #tpu.memory_space<vmem_shared>> -> memref<128x128xf32, #tpu.memory_space<vmem_shared>>
      tpu.enqueue_dma source(%arg9 : memref<128x128xf32, #tpu.memory_space<vmem>>) target(%dma_start3A_26 : memref<128x128xf32, #tpu.memory_space<vmem_shared>>) target_semaphore(%run_scoped3A : memref<!tpu.dma_semaphore, #tpu.memory_space<semaphore_mem>>)
      %dma_wait3A = arith.constant 0 : i32
      %dma_wait3A_27 = tpu.memref_slice %arg11[%add3A_14, %dma_wait3A] : memref<10240x128xf32, #tpu.memory_space<vmem_shared>> -> memref<128x128xf32, #tpu.memory_space<vmem_shared>>
      %dma_wait3A_28 = arith.constant 0 : i32
      %dma_wait3A_29 = tpu.memref_slice %arg11[%add3A_14, %dma_wait3A_28] : memref<10240x128xf32, #tpu.memory_space<vmem_shared>> -> memref<128x128xf32, #tpu.memory_space<vmem_shared>>
      tpu.wait_dma2 semaphore(%run_scoped3A : memref<!tpu.dma_semaphore, #tpu.memory_space<semaphore_mem>>) src(%arg9 : memref<128x128xf32, #tpu.memory_space<vmem>>) dst(%dma_wait3A_29 : memref<128x128xf32, #tpu.memory_space<vmem_shared>>)
      tpu.yield
    }) : () -> ()
    %barrier3A = arith.constant 0 : index
    tpu.barrier barrier_id(%barrier3A)
    %scan3A_15 = arith.constant 0 : i32
    %scan3A_16 = arith.constant 2 : i32
    %scan3A_17 = arith.addi %scan3A_15, %scan3A_16 : i32
    %scan3A_18 = arith.constant 1 : i32
    scf.for %scan3A_24 = %scan3A_15 to %scan3A_17 step %scan3A_18  : i32 {
      %eq3A = arith.constant 0 : i32
      %eq3A_25 = arith.cmpi eq, %arg0, %eq3A : i32
      %convert_element_type3A = arith.extui %eq3A_25 : i1 to i32
      %cond3A = arith.constant 0 : i32
      %cond3A_26 = arith.cmpi ne, %convert_element_type3A, %cond3A : i32
      scf.if %cond3A_26 {
        "tpu.region"() ({
          %run_scoped3A = tpu.sem_alloc : memref<!tpu.dma_semaphore, #tpu.memory_space<semaphore_mem>>
          %dma_start3A_43 = arith.constant 0 : i32
          %dma_start3A_44 = arith.constant 0 : i32
          %dma_start3A_45 = tpu.memref_slice %arg3[%arg1, %scan3A_24, %dma_start3A_43, %dma_start3A_44] : memref<16x2x40x128xi32, #tpu.memory_space<hbm>> -> memref<1x1x40x128xi32, #tpu.memory_space<hbm>>
          %dma_start3A_46 = tpu.memref_squeeze %dma_start3A_45 : memref<1x1x40x128xi32, #tpu.memory_space<hbm>> -> memref<40x128xi32, #tpu.memory_space<hbm>>
          %dma_start3A_47 = arith.constant 0 : i32
          %dma_start3A_48 = arith.constant 0 : i32
          %dma_start3A_49 = tpu.memref_slice %arg3[%arg1, %scan3A_24, %dma_start3A_47, %dma_start3A_48] : memref<16x2x40x128xi32, #tpu.memory_space<hbm>> -> memref<1x1x40x128xi32, #tpu.memory_space<hbm>>
          %dma_start3A_50 = tpu.memref_squeeze %dma_start3A_49 : memref<1x1x40x128xi32, #tpu.memory_space<hbm>> -> memref<40x128xi32, #tpu.memory_space<hbm>>
          tpu.enqueue_dma source(%dma_start3A_50 : memref<40x128xi32, #tpu.memory_space<hbm>>) target(%arg7 : memref<40x128xi32, #tpu.memory_space<vmem>>) target_semaphore(%run_scoped3A : memref<!tpu.dma_semaphore, #tpu.memory_space<semaphore_mem>>)
          %dma_wait3A = arith.constant 0 : i32
          %dma_wait3A_51 = arith.constant 0 : i32
          %dma_wait3A_52 = tpu.memref_slice %arg3[%arg1, %scan3A_24, %dma_wait3A, %dma_wait3A_51] : memref<16x2x40x128xi32, #tpu.memory_space<hbm>> -> memref<1x1x40x128xi32, #tpu.memory_space<hbm>>
          %dma_wait3A_53 = tpu.memref_squeeze %dma_wait3A_52 : memref<1x1x40x128xi32, #tpu.memory_space<hbm>> -> memref<40x128xi32, #tpu.memory_space<hbm>>
          %dma_wait3A_54 = arith.constant 0 : i32
          %dma_wait3A_55 = arith.constant 0 : i32
          %dma_wait3A_56 = tpu.memref_slice %arg3[%arg1, %scan3A_24, %dma_wait3A_54, %dma_wait3A_55] : memref<16x2x40x128xi32, #tpu.memory_space<hbm>> -> memref<1x1x40x128xi32, #tpu.memory_space<hbm>>
          %dma_wait3A_57 = tpu.memref_squeeze %dma_wait3A_56 : memref<1x1x40x128xi32, #tpu.memory_space<hbm>> -> memref<40x128xi32, #tpu.memory_space<hbm>>
          tpu.wait_dma2 semaphore(%run_scoped3A : memref<!tpu.dma_semaphore, #tpu.memory_space<semaphore_mem>>) src(%dma_wait3A_57 : memref<40x128xi32, #tpu.memory_space<hbm>>) dst(%arg7 : memref<40x128xi32, #tpu.memory_space<vmem>>)
          tpu.yield
        }) : () -> ()
      } else {
      }
      %eq3A_27 = arith.constant 1 : i32
      %eq3A_28 = arith.cmpi eq, %arg0, %eq3A_27 : i32
      %convert_element_type3A_29 = arith.extui %eq3A_28 : i1 to i32
      %cond3A_30 = arith.constant 0 : i32
      %cond3A_31 = arith.cmpi ne, %convert_element_type3A_29, %cond3A_30 : i32
      scf.if %cond3A_31 {
        "tpu.region"() ({
          %run_scoped3A = tpu.sem_alloc : memref<!tpu.dma_semaphore, #tpu.memory_space<semaphore_mem>>
          %dma_start3A_43 = arith.constant 0 : i32
          %dma_start3A_44 = arith.constant 0 : i32
          %dma_start3A_45 = tpu.memref_slice %arg4[%arg1, %scan3A_24, %dma_start3A_43, %dma_start3A_44] : memref<16x2x40x128xi32, #tpu.memory_space<hbm>> -> memref<1x1x40x128xi32, #tpu.memory_space<hbm>>
          %dma_start3A_46 = tpu.memref_squeeze %dma_start3A_45 : memref<1x1x40x128xi32, #tpu.memory_space<hbm>> -> memref<40x128xi32, #tpu.memory_space<hbm>>
          %dma_start3A_47 = arith.constant 0 : i32
          %dma_start3A_48 = arith.constant 0 : i32
          %dma_start3A_49 = tpu.memref_slice %arg4[%arg1, %scan3A_24, %dma_start3A_47, %dma_start3A_48] : memref<16x2x40x128xi32, #tpu.memory_space<hbm>> -> memref<1x1x40x128xi32, #tpu.memory_space<hbm>>
          %dma_start3A_50 = tpu.memref_squeeze %dma_start3A_49 : memref<1x1x40x128xi32, #tpu.memory_space<hbm>> -> memref<40x128xi32, #tpu.memory_space<hbm>>
          tpu.enqueue_dma source(%dma_start3A_50 : memref<40x128xi32, #tpu.memory_space<hbm>>) target(%arg7 : memref<40x128xi32, #tpu.memory_space<vmem>>) target_semaphore(%run_scoped3A : memref<!tpu.dma_semaphore, #tpu.memory_space<semaphore_mem>>)
          %dma_wait3A = arith.constant 0 : i32
          %dma_wait3A_51 = arith.constant 0 : i32
          %dma_wait3A_52 = tpu.memref_slice %arg4[%arg1, %scan3A_24, %dma_wait3A, %dma_wait3A_51] : memref<16x2x40x128xi32, #tpu.memory_space<hbm>> -> memref<1x1x40x128xi32, #tpu.memory_space<hbm>>
          %dma_wait3A_53 = tpu.memref_squeeze %dma_wait3A_52 : memref<1x1x40x128xi32, #tpu.memory_space<hbm>> -> memref<40x128xi32, #tpu.memory_space<hbm>>
          %dma_wait3A_54 = arith.constant 0 : i32
          %dma_wait3A_55 = arith.constant 0 : i32
          %dma_wait3A_56 = tpu.memref_slice %arg4[%arg1, %scan3A_24, %dma_wait3A_54, %dma_wait3A_55] : memref<16x2x40x128xi32, #tpu.memory_space<hbm>> -> memref<1x1x40x128xi32, #tpu.memory_space<hbm>>
          %dma_wait3A_57 = tpu.memref_squeeze %dma_wait3A_56 : memref<1x1x40x128xi32, #tpu.memory_space<hbm>> -> memref<40x128xi32, #tpu.memory_space<hbm>>
          tpu.wait_dma2 semaphore(%run_scoped3A : memref<!tpu.dma_semaphore, #tpu.memory_space<semaphore_mem>>) src(%dma_wait3A_57 : memref<40x128xi32, #tpu.memory_space<hbm>>) dst(%arg7 : memref<40x128xi32, #tpu.memory_space<vmem>>)
          tpu.yield
        }) : () -> ()
      } else {
      }
      "tpu.region"() ({
        %run_scoped3A = tpu.sem_alloc : memref<!tpu.dma_semaphore, #tpu.memory_space<semaphore_mem>>
        %dma_start3A_43 = arith.constant 0 : i32
        %dma_start3A_44 = arith.constant 0 : i32
        %dma_start3A_45 = tpu.memref_slice %arg5[%arg1, %scan3A_24, %dma_start3A_43, %dma_start3A_44] : memref<16x2x40x128xi32, #tpu.memory_space<hbm>> -> memref<1x1x40x128xi32, #tpu.memory_space<hbm>>
        %dma_start3A_46 = tpu.memref_squeeze %dma_start3A_45 : memref<1x1x40x128xi32, #tpu.memory_space<hbm>> -> memref<40x128xi32, #tpu.memory_space<hbm>>
        %dma_start3A_47 = arith.constant 0 : i32
        %dma_start3A_48 = arith.constant 0 : i32
        %dma_start3A_49 = tpu.memref_slice %arg5[%arg1, %scan3A_24, %dma_start3A_47, %dma_start3A_48] : memref<16x2x40x128xi32, #tpu.memory_space<hbm>> -> memref<1x1x40x128xi32, #tpu.memory_space<hbm>>
        %dma_start3A_50 = tpu.memref_squeeze %dma_start3A_49 : memref<1x1x40x128xi32, #tpu.memory_space<hbm>> -> memref<40x128xi32, #tpu.memory_space<hbm>>
        tpu.enqueue_dma source(%dma_start3A_50 : memref<40x128xi32, #tpu.memory_space<hbm>>) target(%arg8 : memref<40x128xi32, #tpu.memory_space<vmem>>) target_semaphore(%run_scoped3A : memref<!tpu.dma_semaphore, #tpu.memory_space<semaphore_mem>>)
        %dma_wait3A = arith.constant 0 : i32
        %dma_wait3A_51 = arith.constant 0 : i32
        %dma_wait3A_52 = tpu.memref_slice %arg5[%arg1, %scan3A_24, %dma_wait3A, %dma_wait3A_51] : memref<16x2x40x128xi32, #tpu.memory_space<hbm>> -> memref<1x1x40x128xi32, #tpu.memory_space<hbm>>
        %dma_wait3A_53 = tpu.memref_squeeze %dma_wait3A_52 : memref<1x1x40x128xi32, #tpu.memory_space<hbm>> -> memref<40x128xi32, #tpu.memory_space<hbm>>
        %dma_wait3A_54 = arith.constant 0 : i32
        %dma_wait3A_55 = arith.constant 0 : i32
        %dma_wait3A_56 = tpu.memref_slice %arg5[%arg1, %scan3A_24, %dma_wait3A_54, %dma_wait3A_55] : memref<16x2x40x128xi32, #tpu.memory_space<hbm>> -> memref<1x1x40x128xi32, #tpu.memory_space<hbm>>
        %dma_wait3A_57 = tpu.memref_squeeze %dma_wait3A_56 : memref<1x1x40x128xi32, #tpu.memory_space<hbm>> -> memref<40x128xi32, #tpu.memory_space<hbm>>
        tpu.wait_dma2 semaphore(%run_scoped3A : memref<!tpu.dma_semaphore, #tpu.memory_space<semaphore_mem>>) src(%dma_wait3A_57 : memref<40x128xi32, #tpu.memory_space<hbm>>) dst(%arg8 : memref<40x128xi32, #tpu.memory_space<vmem>>)
        tpu.yield
      }) : () -> ()
      %dma_start3A = arith.constant 0 : i32
      %dma_start3A_32 = arith.constant 0 : i32
      %dma_start3A_33 = tpu.memref_slice %arg7[%dma_start3A, %dma_start3A_32] : memref<40x128xi32, #tpu.memory_space<vmem>> -> memref<1x128xi32, #tpu.memory_space<vmem>>
      %dma_start3A_34 = tpu.memref_squeeze %dma_start3A_33 : memref<1x128xi32, #tpu.memory_space<vmem>> -> memref<128xi32, #tpu.memory_space<vmem>>
      %dma_start3A_35 = arith.constant 0 : i32
      %dma_start3A_36 = arith.constant 0 : i32
      %dma_start3A_37 = tpu.memref_slice %arg2[%dma_start3A_35, %dma_start3A_36] : memref<20480x128xf32, #tpu.memory_space<hbm>> -> memref<20480x128xf32, #tpu.memory_space<hbm>>
      tpu.enqueue_indirect_dma source(%dma_start3A_37 : memref<20480x128xf32, #tpu.memory_space<hbm>>) target(%arg9 : memref<128x128xf32, #tpu.memory_space<vmem>>) offsets(%dma_start3A_34 : memref<128xi32, #tpu.memory_space<vmem>>) semaphore(%arg12 : memref<!tpu.dma_semaphore, #tpu.memory_space<semaphore_mem>>)
      %scan3A_38 = arith.constant 0 : i32
      %scan3A_39 = arith.constant 20 : i32
      %scan3A_40 = arith.addi %scan3A_38, %scan3A_39 : i32
      %scan3A_41 = arith.constant 1 : i32
      scf.for %scan3A_43 = %scan3A_38 to %scan3A_40 step %scan3A_41  : i32 {
        %mul3A_44 = arith.constant 2 : i32
        %mul3A_45 = arith.muli %mul3A_44, %scan3A_43 : i32
        %add3A_46 = arith.constant 1 : i32
        %add3A_47 = arith.addi %mul3A_45, %add3A_46 : i32
        %dma_start3A_48 = arith.constant 0 : i32
        %dma_start3A_49 = tpu.memref_slice %arg7[%add3A_47, %dma_start3A_48] : memref<40x128xi32, #tpu.memory_space<vmem>> -> memref<1x128xi32, #tpu.memory_space<vmem>>
        %dma_start3A_50 = tpu.memref_squeeze %dma_start3A_49 : memref<1x128xi32, #tpu.memory_space<vmem>> -> memref<128xi32, #tpu.memory_space<vmem>>
        %dma_start3A_51 = arith.constant 0 : i32
        %dma_start3A_52 = arith.constant 0 : i32
        %dma_start3A_53 = tpu.memref_slice %arg2[%dma_start3A_51, %dma_start3A_52] : memref<20480x128xf32, #tpu.memory_space<hbm>> -> memref<20480x128xf32, #tpu.memory_space<hbm>>
        tpu.enqueue_indirect_dma source(%dma_start3A_53 : memref<20480x128xf32, #tpu.memory_space<hbm>>) target(%arg10 : memref<128x128xf32, #tpu.memory_space<vmem>>) offsets(%dma_start3A_50 : memref<128xi32, #tpu.memory_space<vmem>>) semaphore(%arg13 : memref<!tpu.dma_semaphore, #tpu.memory_space<semaphore_mem>>)
        %dma_wait3A = arith.constant 0 : i32
        %dma_wait3A_54 = arith.constant 0 : i32
        %dma_wait3A_55 = tpu.memref_slice %arg7[%dma_wait3A, %dma_wait3A_54] : memref<40x128xi32, #tpu.memory_space<vmem>> -> memref<1x128xi32, #tpu.memory_space<vmem>>
        %dma_wait3A_56 = tpu.memref_squeeze %dma_wait3A_55 : memref<1x128xi32, #tpu.memory_space<vmem>> -> memref<128xi32, #tpu.memory_space<vmem>>
        %dma_wait3A_57 = arith.constant 0 : i32
        %dma_wait3A_58 = arith.constant 0 : i32
        %dma_wait3A_59 = tpu.memref_slice %arg2[%dma_wait3A_57, %dma_wait3A_58] : memref<20480x128xf32, #tpu.memory_space<hbm>> -> memref<20480x128xf32, #tpu.memory_space<hbm>>
        tpu.wait_indirect_dma semaphore(%arg12 : memref<!tpu.dma_semaphore, #tpu.memory_space<semaphore_mem>>) src(%dma_wait3A_59 : memref<20480x128xf32, #tpu.memory_space<hbm>>) dst(%arg9 : memref<128x128xf32, #tpu.memory_space<vmem>>)
        "tpu.region"() ({
          %run_scoped3A = tpu.sem_alloc : memref<!tpu.dma_semaphore, #tpu.memory_space<semaphore_mem>>
          %dma_start3A_75 = arith.constant 0 : i32
          %dma_start3A_76 = tpu.memref_slice %arg8[%mul3A_45, %dma_start3A_75] : memref<40x128xi32, #tpu.memory_space<vmem>> -> memref<1x128xi32, #tpu.memory_space<vmem>>
          %dma_start3A_77 = tpu.memref_squeeze %dma_start3A_76 : memref<1x128xi32, #tpu.memory_space<vmem>> -> memref<128xi32, #tpu.memory_space<vmem>>
          %dma_start3A_78 = arith.constant 0 : i32
          %dma_start3A_79 = arith.constant 0 : i32
          %dma_start3A_80 = tpu.memref_slice %arg11[%dma_start3A_78, %dma_start3A_79] : memref<10240x128xf32, #tpu.memory_space<vmem_shared>> -> memref<10240x128xf32, #tpu.memory_space<vmem_shared>>
          tpu.enqueue_indirect_dma source(%arg9 : memref<128x128xf32, #tpu.memory_space<vmem>>) target(%dma_start3A_80 : memref<10240x128xf32, #tpu.memory_space<vmem_shared>>) offsets(%dma_start3A_77 : memref<128xi32, #tpu.memory_space<vmem>>) semaphore(%run_scoped3A : memref<!tpu.dma_semaphore, #tpu.memory_space<semaphore_mem>>) {add = true}
          %dma_wait3A_81 = arith.constant 0 : i32
          %dma_wait3A_82 = tpu.memref_slice %arg8[%mul3A_45, %dma_wait3A_81] : memref<40x128xi32, #tpu.memory_space<vmem>> -> memref<1x128xi32, #tpu.memory_space<vmem>>
          %dma_wait3A_83 = tpu.memref_squeeze %dma_wait3A_82 : memref<1x128xi32, #tpu.memory_space<vmem>> -> memref<128xi32, #tpu.memory_space<vmem>>
          %dma_wait3A_84 = arith.constant 0 : i32
          %dma_wait3A_85 = arith.constant 0 : i32
          %dma_wait3A_86 = tpu.memref_slice %arg11[%dma_wait3A_84, %dma_wait3A_85] : memref<10240x128xf32, #tpu.memory_space<vmem_shared>> -> memref<10240x128xf32, #tpu.memory_space<vmem_shared>>
          tpu.wait_indirect_dma semaphore(%run_scoped3A : memref<!tpu.dma_semaphore, #tpu.memory_space<semaphore_mem>>) src(%arg9 : memref<128x128xf32, #tpu.memory_space<vmem>>) dst(%dma_wait3A_86 : memref<10240x128xf32, #tpu.memory_space<vmem_shared>>)
          tpu.yield
        }) : () -> ()
        %add3A_60 = arith.constant 2 : i32
        %add3A_61 = arith.addi %mul3A_45, %add3A_60 : i32
        %lt3A = arith.constant 40 : i32
        %lt3A_62 = arith.cmpi slt, %add3A_61, %lt3A : i32
        %convert_element_type3A_63 = arith.extui %lt3A_62 : i1 to i32
        %cond3A_64 = arith.constant 0 : i32
        %cond3A_65 = arith.cmpi ne, %convert_element_type3A_63, %cond3A_64 : i32
        scf.if %cond3A_65 {
          %add3A_75 = arith.constant 2 : i32
          %add3A_76 = arith.addi %mul3A_45, %add3A_75 : i32
          %dma_start3A_77 = arith.constant 0 : i32
          %dma_start3A_78 = tpu.memref_slice %arg7[%add3A_76, %dma_start3A_77] : memref<40x128xi32, #tpu.memory_space<vmem>> -> memref<1x128xi32, #tpu.memory_space<vmem>>
          %dma_start3A_79 = tpu.memref_squeeze %dma_start3A_78 : memref<1x128xi32, #tpu.memory_space<vmem>> -> memref<128xi32, #tpu.memory_space<vmem>>
          %dma_start3A_80 = arith.constant 0 : i32
          %dma_start3A_81 = arith.constant 0 : i32
          %dma_start3A_82 = tpu.memref_slice %arg2[%dma_start3A_80, %dma_start3A_81] : memref<20480x128xf32, #tpu.memory_space<hbm>> -> memref<20480x128xf32, #tpu.memory_space<hbm>>
          tpu.enqueue_indirect_dma source(%dma_start3A_82 : memref<20480x128xf32, #tpu.memory_space<hbm>>) target(%arg9 : memref<128x128xf32, #tpu.memory_space<vmem>>) offsets(%dma_start3A_79 : memref<128xi32, #tpu.memory_space<vmem>>) semaphore(%arg12 : memref<!tpu.dma_semaphore, #tpu.memory_space<semaphore_mem>>)
        } else {
        }
        %dma_wait3A_66 = arith.constant 0 : i32
        %dma_wait3A_67 = arith.constant 0 : i32
        %dma_wait3A_68 = tpu.memref_slice %arg7[%dma_wait3A_66, %dma_wait3A_67] : memref<40x128xi32, #tpu.memory_space<vmem>> -> memref<1x128xi32, #tpu.memory_space<vmem>>
        %dma_wait3A_69 = tpu.memref_squeeze %dma_wait3A_68 : memref<1x128xi32, #tpu.memory_space<vmem>> -> memref<128xi32, #tpu.memory_space<vmem>>
        %dma_wait3A_70 = arith.constant 0 : i32
        %dma_wait3A_71 = arith.constant 0 : i32
        %dma_wait3A_72 = tpu.memref_slice %arg2[%dma_wait3A_70, %dma_wait3A_71] : memref<20480x128xf32, #tpu.memory_space<hbm>> -> memref<20480x128xf32, #tpu.memory_space<hbm>>
        tpu.wait_indirect_dma semaphore(%arg13 : memref<!tpu.dma_semaphore, #tpu.memory_space<semaphore_mem>>) src(%dma_wait3A_72 : memref<20480x128xf32, #tpu.memory_space<hbm>>) dst(%arg10 : memref<128x128xf32, #tpu.memory_space<vmem>>)
        %add3A_73 = arith.constant 1 : i32
        %add3A_74 = arith.addi %mul3A_45, %add3A_73 : i32
        "tpu.region"() ({
          %run_scoped3A = tpu.sem_alloc : memref<!tpu.dma_semaphore, #tpu.memory_space<semaphore_mem>>
          %dma_start3A_75 = arith.constant 0 : i32
          %dma_start3A_76 = tpu.memref_slice %arg8[%add3A_74, %dma_start3A_75] : memref<40x128xi32, #tpu.memory_space<vmem>> -> memref<1x128xi32, #tpu.memory_space<vmem>>
          %dma_start3A_77 = tpu.memref_squeeze %dma_start3A_76 : memref<1x128xi32, #tpu.memory_space<vmem>> -> memref<128xi32, #tpu.memory_space<vmem>>
          %dma_start3A_78 = arith.constant 0 : i32
          %dma_start3A_79 = arith.constant 0 : i32
          %dma_start3A_80 = tpu.memref_slice %arg11[%dma_start3A_78, %dma_start3A_79] : memref<10240x128xf32, #tpu.memory_space<vmem_shared>> -> memref<10240x128xf32, #tpu.memory_space<vmem_shared>>
          tpu.enqueue_indirect_dma source(%arg10 : memref<128x128xf32, #tpu.memory_space<vmem>>) target(%dma_start3A_80 : memref<10240x128xf32, #tpu.memory_space<vmem_shared>>) offsets(%dma_start3A_77 : memref<128xi32, #tpu.memory_space<vmem>>) semaphore(%run_scoped3A : memref<!tpu.dma_semaphore, #tpu.memory_space<semaphore_mem>>) {add = true}
          %dma_wait3A_81 = arith.constant 0 : i32
          %dma_wait3A_82 = tpu.memref_slice %arg8[%add3A_74, %dma_wait3A_81] : memref<40x128xi32, #tpu.memory_space<vmem>> -> memref<1x128xi32, #tpu.memory_space<vmem>>
          %dma_wait3A_83 = tpu.memref_squeeze %dma_wait3A_82 : memref<1x128xi32, #tpu.memory_space<vmem>> -> memref<128xi32, #tpu.memory_space<vmem>>
          %dma_wait3A_84 = arith.constant 0 : i32
          %dma_wait3A_85 = arith.constant 0 : i32
          %dma_wait3A_86 = tpu.memref_slice %arg11[%dma_wait3A_84, %dma_wait3A_85] : memref<10240x128xf32, #tpu.memory_space<vmem_shared>> -> memref<10240x128xf32, #tpu.memory_space<vmem_shared>>
          tpu.wait_indirect_dma semaphore(%run_scoped3A : memref<!tpu.dma_semaphore, #tpu.memory_space<semaphore_mem>>) src(%arg10 : memref<128x128xf32, #tpu.memory_space<vmem>>) dst(%dma_wait3A_86 : memref<10240x128xf32, #tpu.memory_space<vmem_shared>>)
          tpu.yield
        }) : () -> ()
      }
      %scan3A_42 = arith.constant 20 : i32
    }
    %scan3A_19 = arith.constant 2 : i32
    %barrier3A_20 = arith.constant 0 : index
    tpu.barrier barrier_id(%barrier3A_20)
    %mul3A_21 = arith.constant 10240 : i32
    %mul3A_22 = arith.muli %arg0, %mul3A_21 : i32
    %add3A_23 = arith.addi %mul3A_22, %mul3A_5 : i32
    "tpu.region"() ({
      %run_scoped3A = tpu.sem_alloc : memref<!tpu.dma_semaphore, #tpu.memory_space<semaphore_mem>>
      %dma_start3A = arith.constant 0 : i32
      %dma_start3A_24 = tpu.memref_slice %arg6[%add3A_23, %dma_start3A] : memref<20480x128xf32, #tpu.memory_space<hbm>> -> memref<640x128xf32, #tpu.memory_space<hbm>>
      %dma_start3A_25 = arith.constant 0 : i32
      %dma_start3A_26 = tpu.memref_slice %arg11[%mul3A_5, %dma_start3A_25] : memref<10240x128xf32, #tpu.memory_space<vmem_shared>> -> memref<640x128xf32, #tpu.memory_space<vmem_shared>>
      tpu.enqueue_dma source(%dma_start3A_26 : memref<640x128xf32, #tpu.memory_space<vmem_shared>>) target(%dma_start3A_24 : memref<640x128xf32, #tpu.memory_space<hbm>>) target_semaphore(%run_scoped3A : memref<!tpu.dma_semaphore, #tpu.memory_space<semaphore_mem>>)
      %dma_wait3A = arith.constant 0 : i32
      %dma_wait3A_27 = tpu.memref_slice %arg6[%add3A_23, %dma_wait3A] : memref<20480x128xf32, #tpu.memory_space<hbm>> -> memref<640x128xf32, #tpu.memory_space<hbm>>
      %dma_wait3A_28 = arith.constant 0 : i32
      %dma_wait3A_29 = tpu.memref_slice %arg11[%mul3A_5, %dma_wait3A_28] : memref<10240x128xf32, #tpu.memory_space<vmem_shared>> -> memref<640x128xf32, #tpu.memory_space<vmem_shared>>
      tpu.wait_dma2 semaphore(%run_scoped3A : memref<!tpu.dma_semaphore, #tpu.memory_space<semaphore_mem>>) src(%dma_wait3A_29 : memref<640x128xf32, #tpu.memory_space<vmem_shared>>) dst(%dma_wait3A_27 : memref<640x128xf32, #tpu.memory_space<hbm>>)
      tpu.yield
    }) : () -> ()
    return
  }
}

module attributes {stable_mosaic.version = 14 : i64} {
  func.func @_tc_y1_body(%arg0: i32, %arg1: memref<1024x512xf32, #tpu.memory_space<vmem>>, %arg2: memref<512x256xf32, #tpu.memory_space<vmem>>, %arg3: memref<1024x1xf32, #tpu.memory_space<vmem>>, %arg4: memref<2x1024x128xf32, #tpu.memory_space<vmem>>) attributes {dimension_semantics = [#tpu.dimension_semantics<arbitrary>], iteration_bounds = array<i64: 10>, scalar_prefetch = 0 : i64, scratch_operands = 0 : i64, tpu.core_type = #tpu.core_type<tc>, window_params = [{transform_indices = @transform_0, window_bounds = array<i64: 1024, 512>}, {pipeline_mode = #tpu.pipeline_mode<synchronous>, transform_indices = @transform_1, window_bounds = array<i64: 512, 256>}, {transform_indices = @transform_2, window_bounds = array<i64: 1024, 1>}, {transform_indices = @transform_3, window_bounds = array<i64: 2, 1024, 128>}]} {
    %get3A = arith.constant 0 : index
    %get3A_0 = arith.constant 0 : index
    %get3A_1 = vector.load %arg1[%get3A, %get3A_0] : memref<1024x512xf32, #tpu.memory_space<vmem>>, vector<1024x512xf32>
    %get3A_2 = arith.constant 0 : index
    %get3A_3 = arith.constant 0 : index
    %get3A_4 = vector.load %arg2[%get3A_2, %get3A_3] : memref<512x256xf32, #tpu.memory_space<vmem>>, vector<512x256xf32>
    %dot_general3A = arith.constant dense<0.000000e+00> : vector<1024x256xf32>
    %dot_general3A_5 = tpu.matmul %get3A_1, %get3A_4, %dot_general3A {dimension_numbers = #tpu.dot_dimension_numbers<[1], [0], [0], [1], [0, 0, 1, 1], [], []>, transpose_lhs_hint = false} : vector<1024x512xf32>, vector<512x256xf32>, vector<1024x256xf32> -> vector<1024x256xf32>
    %get3A_6 = arith.constant 0 : index
    %get3A_7 = arith.constant 0 : index
    %get3A_8 = vector.load %arg3[%get3A_6, %get3A_7] : memref<1024x1xf32, #tpu.memory_space<vmem>>, vector<1024x1xf32>
    %mul3A = vector.broadcast %get3A_8 : vector<1024x1xf32> to vector<1024x256xf32>
    %mul3A_9 = arith.mulf %dot_general3A_5, %mul3A : vector<1024x256xf32>
    %slice3A = vector.extract_strided_slice %mul3A_9 {offsets = [0, 0], sizes = [1024, 128], strides = [1, 1]} : vector<1024x256xf32> to vector<1024x128xf32>
    %swap3A = arith.constant 0 : index
    %swap3A_10 = arith.constant 0 : index
    %swap3A_11 = arith.constant 0 : index
    %swap3A_12 = vector.load %arg4[%swap3A, %swap3A_10, %swap3A_11] : memref<2x1024x128xf32, #tpu.memory_space<vmem>>, vector<1x1024x128xf32>
    %swap3A_13 = vector.shape_cast %swap3A_12 : vector<1x1024x128xf32> to vector<1024x128xf32>
    %swap3A_14 = vector.shape_cast %slice3A : vector<1024x128xf32> to vector<1x1024x128xf32>
    tpu.vector_store %arg4[%swap3A, %swap3A_10, %swap3A_11], %swap3A_14 {strides = array<i32>} : memref<2x1024x128xf32, #tpu.memory_space<vmem>>, vector<1x1024x128xf32>,
    %slice3A_15 = vector.extract_strided_slice %mul3A_9 {offsets = [0, 128], sizes = [1024, 128], strides = [1, 1]} : vector<1024x256xf32> to vector<1024x128xf32>
    %swap3A_16 = arith.constant 1 : index
    %swap3A_17 = arith.constant 0 : index
    %swap3A_18 = arith.constant 0 : index
    %swap3A_19 = vector.load %arg4[%swap3A_16, %swap3A_17, %swap3A_18] : memref<2x1024x128xf32, #tpu.memory_space<vmem>>, vector<1x1024x128xf32>
    %swap3A_20 = vector.shape_cast %swap3A_19 : vector<1x1024x128xf32> to vector<1024x128xf32>
    %swap3A_21 = vector.shape_cast %slice3A_15 : vector<1024x128xf32> to vector<1x1024x128xf32>
    tpu.vector_store %arg4[%swap3A_16, %swap3A_17, %swap3A_18], %swap3A_21 {strides = array<i32>} : memref<2x1024x128xf32, #tpu.memory_space<vmem>>, vector<1x1024x128xf32>,
    return
  }
  func.func @transform_0(%arg0: i32) -> (i32, i32) {
    %c0_i32 = arith.constant 0 : i32
    %c0_i32_0 = arith.constant 0 : i32
    return %arg0, %c0_i32 : i32, i32
  }
  func.func @transform_1(%arg0: i32) -> (i32, i32) {
    %c0_i32 = arith.constant 0 : i32
    %c0_i32_0 = arith.constant 0 : i32
    %c0_i32_1 = arith.constant 0 : i32
    return %c0_i32, %c0_i32_0 : i32, i32
  }
  func.func @transform_2(%arg0: i32) -> (i32, i32) {
    %c0_i32 = arith.constant 0 : i32
    %c0_i32_0 = arith.constant 0 : i32
    return %arg0, %c0_i32 : i32, i32
  }
  func.func @transform_3(%arg0: i32) -> (i32, i32, i32) {
    %c0_i32 = arith.constant 0 : i32
    %c0_i32_0 = arith.constant 0 : i32
    %c0_i32_1 = arith.constant 0 : i32
    return %c0_i32, %arg0, %c0_i32_0 : i32, i32, i32
  }
}

module attributes {stable_mosaic.version = 14 : i64} {
  func.func @_tc_finalize_deg_body(%arg0: memref<32x10240xf32, #tpu.memory_space<vmem>>, %arg1: memref<32x10240xf32, #tpu.memory_space<vmem>>, %arg2: memref<10240x1xf32, #tpu.memory_space<vmem>>, %arg3: memref<10240x1xf32, #tpu.memory_space<vmem>>) attributes {dimension_semantics = [], scalar_prefetch = 0 : i64, scratch_operands = 0 : i64, tpu.core_type = #tpu.core_type<tc>} {
    %get3A = arith.constant 0 : index
    %get3A_0 = arith.constant 0 : index
    %get3A_1 = vector.load %arg0[%get3A, %get3A_0] : memref<32x10240xf32, #tpu.memory_space<vmem>>, vector<32x10240xf32>
    %reduce_sum3A = arith.constant dense<0.000000e+00> : vector<10240xf32>
    %reduce_sum3A_2 = vector.multi_reduction <add>, %get3A_1, %reduce_sum3A [0] : vector<32x10240xf32> to vector<10240xf32>
    %max3A = arith.constant 1.000000e+00 : f32
    %max3A_3 = vector.broadcast %max3A : f32 to vector<10240xf32>
    %max3A_4 = arith.maximumf %reduce_sum3A_2, %max3A_3 : vector<10240xf32>
    %get3A_5 = arith.constant 0 : index
    %get3A_6 = arith.constant 0 : index
    %get3A_7 = vector.load %arg1[%get3A_5, %get3A_6] : memref<32x10240xf32, #tpu.memory_space<vmem>>, vector<32x10240xf32>
    %reduce_sum3A_8 = arith.constant dense<0.000000e+00> : vector<10240xf32>
    %reduce_sum3A_9 = vector.multi_reduction <add>, %get3A_7, %reduce_sum3A_8 [0] : vector<32x10240xf32> to vector<10240xf32>
    %max3A_10 = arith.constant 1.000000e+00 : f32
    %max3A_11 = vector.broadcast %max3A_10 : f32 to vector<10240xf32>
    %max3A_12 = arith.maximumf %reduce_sum3A_9, %max3A_11 : vector<10240xf32>
    %rsqrt3A = math.rsqrt %max3A_4 : vector<10240xf32>
    %broadcast_in_dim3A = vector.shape_cast %rsqrt3A : vector<10240xf32> to vector<10240x1xf32>
    %swap3A = arith.constant 0 : index
    %swap3A_13 = arith.constant 0 : index
    %swap3A_14 = vector.load %arg2[%swap3A, %swap3A_13] : memref<10240x1xf32, #tpu.memory_space<vmem>>, vector<10240x1xf32>
    tpu.vector_store %arg2[%swap3A, %swap3A_13], %broadcast_in_dim3A {strides = array<i32>} : memref<10240x1xf32, #tpu.memory_space<vmem>>, vector<10240x1xf32>,
    %rsqrt3A_15 = math.rsqrt %max3A_12 : vector<10240xf32>
    %broadcast_in_dim3A_16 = vector.shape_cast %rsqrt3A_15 : vector<10240xf32> to vector<10240x1xf32>
    %swap3A_17 = arith.constant 0 : index
    %swap3A_18 = arith.constant 0 : index
    %swap3A_19 = vector.load %arg3[%swap3A_17, %swap3A_18] : memref<10240x1xf32, #tpu.memory_space<vmem>>, vector<10240x1xf32>
    tpu.vector_store %arg3[%swap3A_17, %swap3A_18], %broadcast_in_dim3A_16 {strides = array<i32>} : memref<10240x1xf32, #tpu.memory_space<vmem>>, vector<10240x1xf32>,
    return
  }
}

module attributes {stable_mosaic.version = 14 : i64} {
  func.func @_tc_mid_body(%arg0: i32, %arg1: memref<2x1024x128xf32, #tpu.memory_space<vmem>>, %arg2: memref<1024x1xf32, #tpu.memory_space<vmem>>, %arg3: memref<1024x1xf32, #tpu.memory_space<vmem>>, %arg4: memref<2x1x128xf32, #tpu.memory_space<vmem>>, %arg5: memref<2x1024x128xf32, #tpu.memory_space<vmem>>) attributes {dimension_semantics = [#tpu.dimension_semantics<arbitrary>], iteration_bounds = array<i64: 10>, scalar_prefetch = 0 : i64, scratch_operands = 0 : i64, tpu.core_type = #tpu.core_type<tc>, window_params = [{transform_indices = @transform_0, window_bounds = array<i64: 2, 1024, 128>}, {transform_indices = @transform_1, window_bounds = array<i64: 1024, 1>}, {transform_indices = @transform_2, window_bounds = array<i64: 1024, 1>}, {pipeline_mode = #tpu.pipeline_mode<synchronous>, transform_indices = @transform_3, window_bounds = array<i64: 2, 1, 128>}, {transform_indices = @transform_4, window_bounds = array<i64: 2, 1024, 128>}]} {
    %get3A = arith.constant 0 : index
    %get3A_0 = arith.constant 0 : index
    %get3A_1 = arith.constant 0 : index
    %get3A_2 = vector.load %arg1[%get3A, %get3A_0, %get3A_1] : memref<2x1024x128xf32, #tpu.memory_space<vmem>>, vector<2x1024x128xf32>
    %get3A_3 = arith.constant 0 : index
    %get3A_4 = arith.constant 0 : index
    %get3A_5 = vector.load %arg2[%get3A_3, %get3A_4] : memref<1024x1xf32, #tpu.memory_space<vmem>>, vector<1024x1xf32>
    %broadcast_in_dim3A = vector.shape_cast %get3A_5 : vector<1024x1xf32> to vector<1x1024x1xf32>
    %mul3A = vector.broadcast %broadcast_in_dim3A : vector<1x1024x1xf32> to vector<2x1024x128xf32>
    %mul3A_6 = arith.mulf %get3A_2, %mul3A : vector<2x1024x128xf32>
    %get3A_7 = arith.constant 0 : index
    %get3A_8 = arith.constant 0 : index
    %get3A_9 = arith.constant 0 : index
    %get3A_10 = vector.load %arg4[%get3A_7, %get3A_8, %get3A_9] : memref<2x1x128xf32, #tpu.memory_space<vmem>>, vector<2x1x128xf32>
    %add3A = vector.broadcast %get3A_10 : vector<2x1x128xf32> to vector<2x1024x128xf32>
    %add3A_11 = arith.addf %mul3A_6, %add3A : vector<2x1024x128xf32>
    %max3A = arith.constant 0.000000e+00 : f32
    %max3A_12 = vector.broadcast %max3A : f32 to vector<2x1024x128xf32>
    %max3A_13 = arith.maximumf %add3A_11, %max3A_12 : vector<2x1024x128xf32>
    %get3A_14 = arith.constant 0 : index
    %get3A_15 = arith.constant 0 : index
    %get3A_16 = vector.load %arg3[%get3A_14, %get3A_15] : memref<1024x1xf32, #tpu.memory_space<vmem>>, vector<1024x1xf32>
    %broadcast_in_dim3A_17 = vector.shape_cast %get3A_16 : vector<1024x1xf32> to vector<1x1024x1xf32>
    %mul3A_18 = vector.broadcast %broadcast_in_dim3A_17 : vector<1x1024x1xf32> to vector<2x1024x128xf32>
    %mul3A_19 = arith.mulf %max3A_13, %mul3A_18 : vector<2x1024x128xf32>
    %swap3A = arith.constant 0 : index
    %swap3A_20 = arith.constant 0 : index
    %swap3A_21 = arith.constant 0 : index
    %swap3A_22 = vector.load %arg5[%swap3A, %swap3A_20, %swap3A_21] : memref<2x1024x128xf32, #tpu.memory_space<vmem>>, vector<2x1024x128xf32>
    tpu.vector_store %arg5[%swap3A, %swap3A_20, %swap3A_21], %mul3A_19 {strides = array<i32>} : memref<2x1024x128xf32, #tpu.memory_space<vmem>>, vector<2x1024x128xf32>,
    return
  }
  func.func @transform_0(%arg0: i32) -> (i32, i32, i32) {
    %c0_i32 = arith.constant 0 : i32
    %c0_i32_0 = arith.constant 0 : i32
    %c0_i32_1 = arith.constant 0 : i32
    return %c0_i32, %arg0, %c0_i32_0 : i32, i32, i32
  }
  func.func @transform_1(%arg0: i32) -> (i32, i32) {
    %c0_i32 = arith.constant 0 : i32
    %c0_i32_0 = arith.constant 0 : i32
    return %arg0, %c0_i32 : i32, i32
  }
  func.func @transform_2(%arg0: i32) -> (i32, i32) {
    %c0_i32 = arith.constant 0 : i32
    %c0_i32_0 = arith.constant 0 : i32
    return %arg0, %c0_i32 : i32, i32
  }
  func.func @transform_3(%arg0: i32) -> (i32, i32, i32) {
    %c0_i32 = arith.constant 0 : i32
    %c0_i32_0 = arith.constant 0 : i32
    %c0_i32_1 = arith.constant 0 : i32
    %c0_i32_2 = arith.constant 0 : i32
    return %c0_i32, %c0_i32_0, %c0_i32_1 : i32, i32, i32
  }
  func.func @transform_4(%arg0: i32) -> (i32, i32, i32) {
    %c0_i32 = arith.constant 0 : i32
    %c0_i32_0 = arith.constant 0 : i32
    %c0_i32_1 = arith.constant 0 : i32
    return %c0_i32, %arg0, %c0_i32_0 : i32, i32, i32
  }
}

module attributes {stable_mosaic.version = 14 : i64} {
  func.func @_tc_final_body(%arg0: i32, %arg1: memref<2x1024x128xf32, #tpu.memory_space<vmem>>, %arg2: memref<1024x1xf32, #tpu.memory_space<vmem>>, %arg3: memref<1024x512xf32, #tpu.memory_space<vmem>>, %arg4: memref<256x512xf32, #tpu.memory_space<vmem>>, %arg5: memref<1x512xf32, #tpu.memory_space<vmem>>, %arg6: memref<512x256xf32, #tpu.memory_space<vmem>>, %arg7: memref<1x256xf32, #tpu.memory_space<vmem>>, %arg8: memref<256x512xf32, #tpu.memory_space<vmem>>, %arg9: memref<1x512xf32, #tpu.memory_space<vmem>>, %arg10: memref<1024x512xf32, #tpu.memory_space<vmem>>) attributes {dimension_semantics = [#tpu.dimension_semantics<arbitrary>], iteration_bounds = array<i64: 10>, scalar_prefetch = 0 : i64, scratch_operands = 0 : i64, tpu.core_type = #tpu.core_type<tc>, window_params = [{transform_indices = @transform_0, window_bounds = array<i64: 2, 1024, 128>}, {transform_indices = @transform_1, window_bounds = array<i64: 1024, 1>}, {transform_indices = @transform_2, window_bounds = array<i64: 1024, 512>}, {pipeline_mode = #tpu.pipeline_mode<synchronous>, transform_indices = @transform_3, window_bounds = array<i64: 256, 512>}, {pipeline_mode = #tpu.pipeline_mode<synchronous>, transform_indices = @transform_4, window_bounds = array<i64: 1, 512>}, {pipeline_mode = #tpu.pipeline_mode<synchronous>, transform_indices = @transform_5, window_bounds = array<i64: 512, 256>}, {pipeline_mode = #tpu.pipeline_mode<synchronous>, transform_indices = @transform_6, window_bounds = array<i64: 1, 256>}, {pipeline_mode = #tpu.pipeline_mode<synchronous>, transform_indices = @transform_7, window_bounds = array<i64: 256, 512>}, {pipeline_mode = #tpu.pipeline_mode<synchronous>, transform_indices = @transform_8, window_bounds = array<i64: 1, 512>}, {transform_indices = @transform_9, window_bounds = array<i64: 1024, 512>}]} {
    %get3A = arith.constant 0 : index
    %get3A_0 = arith.constant 0 : index
    %get3A_1 = arith.constant 0 : index
    %get3A_2 = vector.load %arg1[%get3A, %get3A_0, %get3A_1] : memref<2x1024x128xf32, #tpu.memory_space<vmem>>, vector<1x1024x128xf32>
    %get3A_3 = vector.shape_cast %get3A_2 : vector<1x1024x128xf32> to vector<1024x128xf32>
    %get3A_4 = arith.constant 1 : index
    %get3A_5 = arith.constant 0 : index
    %get3A_6 = arith.constant 0 : index
    %get3A_7 = vector.load %arg1[%get3A_4, %get3A_5, %get3A_6] : memref<2x1024x128xf32, #tpu.memory_space<vmem>>, vector<1x1024x128xf32>
    %get3A_8 = vector.shape_cast %get3A_7 : vector<1x1024x128xf32> to vector<1024x128xf32>
    %concatenate3A = tpu.concatenate %get3A_3, %get3A_8 in 1 : vector<1024x128xf32>, vector<1024x128xf32> -> vector<1024x256xf32>
    %get3A_9 = arith.constant 0 : index
    %get3A_10 = arith.constant 0 : index
    %get3A_11 = vector.load %arg2[%get3A_9, %get3A_10] : memref<1024x1xf32, #tpu.memory_space<vmem>>, vector<1024x1xf32>
    %mul3A = vector.broadcast %get3A_11 : vector<1024x1xf32> to vector<1024x256xf32>
    %mul3A_12 = arith.mulf %concatenate3A, %mul3A : vector<1024x256xf32>
    %get3A_13 = arith.constant 0 : index
    %get3A_14 = arith.constant 0 : index
    %get3A_15 = vector.load %arg4[%get3A_13, %get3A_14] : memref<256x512xf32, #tpu.memory_space<vmem>>, vector<256x512xf32>
    %dot_general3A = arith.constant dense<0.000000e+00> : vector<1024x512xf32>
    %dot_general3A_16 = tpu.matmul %mul3A_12, %get3A_15, %dot_general3A {dimension_numbers = #tpu.dot_dimension_numbers<[1], [0], [0], [1], [0, 0, 1, 1], [], []>, transpose_lhs_hint = false} : vector<1024x256xf32>, vector<256x512xf32>, vector<1024x512xf32> -> vector<1024x512xf32>
    %get3A_17 = arith.constant 0 : index
    %get3A_18 = arith.constant 0 : index
    %get3A_19 = vector.load %arg5[%get3A_17, %get3A_18] : memref<1x512xf32, #tpu.memory_space<vmem>>, vector<1x512xf32>
    %add3A = vector.broadcast %get3A_19 : vector<1x512xf32> to vector<1024x512xf32>
    %add3A_20 = arith.addf %dot_general3A_16, %add3A : vector<1024x512xf32>
    %get3A_21 = arith.constant 0 : index
    %get3A_22 = arith.constant 0 : index
    %get3A_23 = vector.load %arg3[%get3A_21, %get3A_22] : memref<1024x512xf32, #tpu.memory_space<vmem>>, vector<1024x512xf32>
    %add3A_24 = arith.addf %add3A_20, %get3A_23 : vector<1024x512xf32>
    %get3A_25 = arith.constant 0 : index
    %get3A_26 = arith.constant 0 : index
    %get3A_27 = vector.load %arg6[%get3A_25, %get3A_26] : memref<512x256xf32, #tpu.memory_space<vmem>>, vector<512x256xf32>
    %dot_general3A_28 = arith.constant dense<0.000000e+00> : vector<1024x256xf32>
    %dot_general3A_29 = tpu.matmul %add3A_24, %get3A_27, %dot_general3A_28 {dimension_numbers = #tpu.dot_dimension_numbers<[1], [0], [0], [1], [0, 0, 1, 1], [], []>, transpose_lhs_hint = false} : vector<1024x512xf32>, vector<512x256xf32>, vector<1024x256xf32> -> vector<1024x256xf32>
    %get3A_30 = arith.constant 0 : index
    %get3A_31 = arith.constant 0 : index
    %get3A_32 = vector.load %arg7[%get3A_30, %get3A_31] : memref<1x256xf32, #tpu.memory_space<vmem>>, vector<1x256xf32>
    %add3A_33 = vector.broadcast %get3A_32 : vector<1x256xf32> to vector<1024x256xf32>
    %add3A_34 = arith.addf %dot_general3A_29, %add3A_33 : vector<1024x256xf32>
    %max3A = arith.constant 0.000000e+00 : f32
    %max3A_35 = vector.broadcast %max3A : f32 to vector<1024x256xf32>
    %max3A_36 = arith.maximumf %add3A_34, %max3A_35 : vector<1024x256xf32>
    %get3A_37 = arith.constant 0 : index
    %get3A_38 = arith.constant 0 : index
    %get3A_39 = vector.load %arg8[%get3A_37, %get3A_38] : memref<256x512xf32, #tpu.memory_space<vmem>>, vector<256x512xf32>
    %dot_general3A_40 = arith.constant dense<0.000000e+00> : vector<1024x512xf32>
    %dot_general3A_41 = tpu.matmul %max3A_36, %get3A_39, %dot_general3A_40 {dimension_numbers = #tpu.dot_dimension_numbers<[1], [0], [0], [1], [0, 0, 1, 1], [], []>, transpose_lhs_hint = false} : vector<1024x256xf32>, vector<256x512xf32>, vector<1024x512xf32> -> vector<1024x512xf32>
    %get3A_42 = arith.constant 0 : index
    %get3A_43 = arith.constant 0 : index
    %get3A_44 = vector.load %arg9[%get3A_42, %get3A_43] : memref<1x512xf32, #tpu.memory_space<vmem>>, vector<1x512xf32>
    %add3A_45 = vector.broadcast %get3A_44 : vector<1x512xf32> to vector<1024x512xf32>
    %add3A_46 = arith.addf %dot_general3A_41, %add3A_45 : vector<1024x512xf32>
    %add3A_47 = arith.addf %add3A_46, %add3A_24 : vector<1024x512xf32>
    %swap3A = arith.constant 0 : index
    %swap3A_48 = arith.constant 0 : index
    %swap3A_49 = vector.load %arg10[%swap3A, %swap3A_48] : memref<1024x512xf32, #tpu.memory_space<vmem>>, vector<1024x512xf32>
    tpu.vector_store %arg10[%swap3A, %swap3A_48], %add3A_47 {strides = array<i32>} : memref<1024x512xf32, #tpu.memory_space<vmem>>, vector<1024x512xf32>,
    return
  }
  func.func @transform_0(%arg0: i32) -> (i32, i32, i32) {
    %c0_i32 = arith.constant 0 : i32
    %c0_i32_0 = arith.constant 0 : i32
    %c0_i32_1 = arith.constant 0 : i32
    return %c0_i32, %arg0, %c0_i32_0 : i32, i32, i32
  }
  func.func @transform_1(%arg0: i32) -> (i32, i32) {
    %c0_i32 = arith.constant 0 : i32
    %c0_i32_0 = arith.constant 0 : i32
    return %arg0, %c0_i32 : i32, i32
  }
  func.func @transform_2(%arg0: i32) -> (i32, i32) {
    %c0_i32 = arith.constant 0 : i32
    %c0_i32_0 = arith.constant 0 : i32
    return %arg0, %c0_i32 : i32, i32
  }
  func.func @transform_3(%arg0: i32) -> (i32, i32) {
    %c0_i32 = arith.constant 0 : i32
    %c0_i32_0 = arith.constant 0 : i32
    %c0_i32_1 = arith.constant 0 : i32
    return %c0_i32, %c0_i32_0 : i32, i32
  }
  func.func @transform_4(%arg0: i32) -> (i32, i32) {
    %c0_i32 = arith.constant 0 : i32
    %c0_i32_0 = arith.constant 0 : i32
    %c0_i32_1 = arith.constant 0 : i32
    return %c0_i32, %c0_i32_0 : i32, i32
  }
  func.func @transform_5(%arg0: i32) -> (i32, i32) {
    %c0_i32 = arith.constant 0 : i32
    %c0_i32_0 = arith.constant 0 : i32
    %c0_i32_1 = arith.constant 0 : i32
    return %c0_i32, %c0_i32_0 : i32, i32
  }
  func.func @transform_6(%arg0: i32) -> (i32, i32) {
    %c0_i32 = arith.constant 0 : i32
    %c0_i32_0 = arith.constant 0 : i32
    %c0_i32_1 = arith.constant 0 : i32
    return %c0_i32, %c0_i32_0 : i32, i32
  }
  func.func @transform_7(%arg0: i32) -> (i32, i32) {
    %c0_i32 = arith.constant 0 : i32
    %c0_i32_0 = arith.constant 0 : i32
    %c0_i32_1 = arith.constant 0 : i32
    return %c0_i32, %c0_i32_0 : i32, i32
  }
  func.func @transform_8(%arg0: i32) -> (i32, i32) {
    %c0_i32 = arith.constant 0 : i32
    %c0_i32_0 = arith.constant 0 : i32
    %c0_i32_1 = arith.constant 0 : i32
    return %c0_i32, %c0_i32_0 : i32, i32
  }
  func.func @transform_9(%arg0: i32) -> (i32, i32) {
    %c0_i32 = arith.constant 0 : i32
    %c0_i32_0 = arith.constant 0 : i32
    return %arg0, %c0_i32 : i32, i32
  }
}

</mosaic_0001>

<sc_bundles>
// kernel: kernel.12.cloned.1.call-start
scs
__scs_entry_jumppad:
0x0: {  	(pc) =	sbr.rel $0x88, $3  }
0x1: {  	(tag) =	ssettag $0x0;
	lr =	simm.s32 $0x1  }
0x2: {  	[smem:$0x3F97] =	sst lr;
	_ =	strace $0xD0000000  }
0x3: {  	_ = 	snop  }
0x4: {  	_ = 	snop  }
0x5: {  	_ = 	snop  }
0x6: {  	_ = 	snop  }
0x7: {  	_ = 	snop  }
__scs_overlays_trampoline_lowered:
0x8: {  	[smem:$0x3FA6] =	sst s0  }
0x9: {  	[smem:$0x3FA7] =	sst s1  }
0xa: {  	[smem:$0x3FA8] =	sst s2  }
0xb: {  	[smem:$0x3FA9] =	sst s3  }
0xc: {  	[smem:$0x3FAA] =	sst s4  }
0xd: {  	[smem:$0x3FAB] =	sst s5  }
0xe: {  	[smem:$0x3FAC] =	sst s6  }
0xf: {  	[smem:$0x3FAD] =	sst s7  }
0x10: {  	[smem:$0x3FAE] =	sst s8  }
0x11: {  	[smem:$0x3FAF] =	sst s9;
	s0 =	simm.s32 @!p0 $0x0  }
0x12: {  	s1 =	sld [smem:$0x3F95];
	s0 =	simm.s32 @p0 $0x1  }
0x13: {  	[smem:$0x3FB0] =	sst s0;
	s0 =	simm.s32 @!p1 $0x0  }
0x14: {  	s2 =	sld [smem:$0x3F94];
	s0 =	simm.s32 @p1 $0x1  }
0x15: {  	[smem:$0x3FB1] =	sst s0;
	s0 =	simm.s32 @!p2 $0x0  }
0x16: {  	s3 =	sld [smem:$0x3FDB];
	s0 =	simm.s32 @p2 $0x1  }
0x17: {  	s4 =	simm.s32 $0x1BF5;
	[smem:$0x3FB3] =	sst s0  }
0x18: {  	s0 =	sld [smem:$0x3F96];
	_ =	swait.ge [sflag:s4], $0x0  }
0x19: {  	s7 =	sld [smem:$0x3F97]  }
0x1a: {  	s8 =	sadd.s32 $0xFFFFE003, lr  }
0x1b: {  	s9 =	sadd.s32 $0xFFFFFEF7, lr;
	s5 =	simm.s32 $0xFFFFFFFF;
	p2 =	slt.u32 s8, $0xFFFFF086  }
0x1c: {  	p1 =	slt.u32 s9, $0xF7A;
	s5 =	simm.s32 @!p2 $0x0  }
0x1d: {  	s5 =	simm.s32 @p1 $0x1;
	p0 =	seq.s32 s7, s2  }
0x1e: {  	s7 =	smul.u32 @!p0 $0xF7A, s2;
	p2 =	seq.s32 @!p0 s5, $0x0  }
0x1f: {  	s9 =	smul.u32 $0xF7A, s1;
	s8 =	simm.s32 @!p0 $0x1BF5;
	p2 =	por !p2, p0  }
0x20: {  	[sflag:s8] =	ssyncset.s32 @!p0 $0xFFFFF086;
	s6 =	sadd.s32 @!p0 s3, s7;
	s7 =	simm.s32 @!p0 $0x108  }
0x21: {  	s3 =	sadd.s32 s3, s9;
	s6 =	sadd.s32 @!p0 $0x88, s6;
	s7 =	simm.s32 @p2 $0x1082  }
0x22: {  	[simem:s7], [sflag:s8] =	dma.local @!p0 [hbm:s6], $0xF7A  }
0x23: {  	s9 =	sor.u32 $0xD0000000, s2;
	s6 =	simm.s32 $0x108;
	_ =	swait.ge @!p0 [sflag:s8], $0x0  }
0x24: {  	s3 =	sadd.s32 $0x88, s3;
	s6 =	simm.s32 @!p1 $0x1082;
	[sflag:s4] =	ssyncset.s32 $0xFFFFF086  }
0x25: {  	[simem:s6], [sflag:s4] =	dma.local [hbm:s3], $0xF7A  }
0x26: {  	[smem:$0x3F97] =	sst s1;
	(tag) =	ssettag s2;
	_ =	strace s9  }
0x27: {  	s1 =	sld [smem:$0x3FA7]  }
0x28: {  	s2 =	sld [smem:$0x3FA8]  }
0x29: {  	s4 =	sld [smem:$0x3FAA]  }
0x2a: {  	p0 =	seq.s32 s5, $0x0;
	s5 =	sld [smem:$0x3FAB]  }
0x2b: {  	s6 =	sld [smem:$0x3FAC]  }
0x2c: {  	s7 =	sld [smem:$0x3FAD]  }
0x2d: {  	s3 =	simm.s32 $0x108;
	s8 =	sld [smem:$0x3FAE]  }
0x2e: {  	s3 =	simm.s32 @!p0 $0x1082;
	s9 =	sld [smem:$0x3FAF]  }
0x2f: {  	lr =	sadd.s32 s0, s3;
	s0 =	sld [smem:$0x3FA6]  }
0x30: {  	s3 =	sld [smem:$0x3FA9]  }
0x31: {  	[smem:$0x3FB2] =	sst s10  }
0x32: {  	s10 =	sld [smem:$0x3FB0];
	_ =	sdelay $0x3  }
0x33: {  	p0 =	seq.s32 s10, $0x1;
	s10 =	sld [smem:$0x3FB2];
	_ =	sdelay $0x3  }
0x34: {  	[smem:$0x3FB2] =	sst s10  }
0x35: {  	s10 =	sld [smem:$0x3FB1];
	_ =	sdelay $0x3  }
0x36: {  	p1 =	seq.s32 s10, $0x1;
	s10 =	sld [smem:$0x3FB2];
	_ =	sdelay $0x3  }
0x37: {  	[smem:$0x3FB2] =	sst s10  }
0x38: {  	s10 =	sld [smem:$0x3FB3]  }
0x39: {  	_ = 	snop;
	(pc) =	sbr.ind lr, $3  }
0x3a: {  	_ = 	snop  }
0x3b: {  	_ = 	snop  }
0x3c: {  	p2 =	seq.s32 s10, $0x1;
	s10 =	sld [smem:$0x3FB2]  }
0x3d: {  	_ =	shalt  }
0x3e: {  	_ =	shalt  }
0x3f: {  	_ =	shalt  }
0x40: {  	_ =	shalt  }
0x41: {  	_ =	shalt  }
0x42: {  	_ =	shalt  }
0x43: {  	_ =	shalt  }
0x44: {  	_ =	shalt  }
0x45: {  	_ =	shalt  }
0x46: {  	_ =	shalt  }
0x47: {  	_ =	shalt  }
0x48: {  	_ =	shalt  }
0x49: {  	_ =	shalt  }
0x4a: {  	_ =	shalt  }
0x4b: {  	_ =	shalt  }
0x4c: {  	_ =	shalt  }
0x4d: {  	_ =	shalt  }
0x4e: {  	_ =	shalt  }
0x4f: {  	_ =	shalt  }
0x50: {  	_ =	shalt  }
0x51: {  	_ =	shalt  }
0x52: {  	_ =	shalt  }
0x53: {  	_ =	shalt  }
0x54: {  	_ =	shalt  }
0x55: {  	_ =	shalt  }
0x56: {  	_ =	shalt  }
0x57: {  	_ =	shalt  }
0x58: {  	_ =	shalt  }
0x59: {  	_ =	shalt  }
0x5a: {  	_ =	shalt  }
0x5b: {  	_ =	shalt  }
0x5c: {  	_ =	shalt  }
0x5d: {  	_ =	shalt  }
0x5e: {  	_ =	shalt  }
0x5f: {  	_ =	shalt  }
0x60: {  	_ =	shalt  }
0x61: {  	_ =	shalt  }
0x62: {  	_ =	shalt  }
0x63: {  	_ =	shalt  }
0x64: {  	_ =	shalt  }
0x65: {  	_ =	shalt  }
0x66: {  	_ =	shalt  }
0x67: {  	_ =	shalt  }
0x68: {  	_ =	shalt  }
0x69: {  	_ =	shalt  }
0x6a: {  	_ =	shalt  }
0x6b: {  	_ =	shalt  }
0x6c: {  	_ =	shalt  }
0x6d: {  	_ =	shalt  }
0x6e: {  	_ =	shalt  }
0x6f: {  	_ =	shalt  }
0x70: {  	_ =	shalt  }
0x71: {  	_ =	shalt  }
0x72: {  	_ =	shalt  }
0x73: {  	_ =	shalt  }
0x74: {  	_ =	shalt  }
0x75: {  	_ =	shalt  }
0x76: {  	_ =	shalt  }
0x77: {  	_ =	shalt  }
0x78: {  	_ =	shalt  }
0x79: {  	_ =	shalt  }
0x7a: {  	_ =	shalt  }
0x7b: {  	_ =	shalt  }
0x7c: {  	_ =	shalt  }
0x7d: {  	_ =	shalt  }
0x7e: {  	_ =	shalt  }
0x7f: {  	_ =	shalt  }
0x80: {  	_ =	shalt  }
0x81: {  	_ =	shalt  }
0x82: {  	_ =	shalt  }
0x83: {  	_ =	shalt  }
0x84: {  	_ =	shalt  }
0x85: {  	_ =	shalt  }
0x86: {  	_ =	shalt  }
0x87: {  	_ =	shalt  }
.Lfunc_end0:
.L_simem_size_0:
called_computation.1_lowered:
.L_overlay_start_0:
0x88: {  	s2 =	sld [smem:$0x3FD9]  }
0x89: {  	s3 =	sld [smem:$0x3FFE];
	_ =	sdelay $0x1  }
0x8a: {  	s1 =	srdreg.scid  }
0x8b: {  	s0 =	sand.u32 $0x1, s1  }
0x8c: {  	s17 =	sshll.u32 s0, $0xA;
	s2 =	sadd.s32 s3, s2  }
0x8d: {  	s2 =	sadd.s32 s2, s17  }
0x8e: {  	[smem:$0x3FBE] =	sst s2  }
0x8f: {  	_ = 	snop  }
0x90: {  	s2 =	sld [smem:$0x3FD0];
	(tm) =	ssettm $0x1  }
0x91: {  	s18 =	sld [smem:$0x3FFB];
	_ =	sdelay $0x3  }
0x92: {  	_ =	strace s18  }
0x93: {  	s3 =	sld [smem:$0x3FFC];
	_ =	sdelay $0x3  }
0x94: {  	_ =	strace s3  }
0x95: {  	s3 =	sld [smem:$0x3FFD];
	_ =	sdelay $0x3  }
0x96: {  	_ =	strace s3  }
0x97: {  	_ =	strace $0x8FFFFFFF  }
0x98: {  	s19 =	sld [smem:$0x3FDB];
	_ =	sdelay $0x1  }
0x99: {  	s4 =	simm.s32 $_scs_section_size  }
0x9a: {  	s5 =	simm.s32 $_size__tile_overlayer_lowered;
	s6 =	simm.s32 $_tile_overlayer_lowered  }
0x9b: {  	s22 =	simm.s32 $0x1BFF;
	s21 =	sshll.u32 s6, $0x1;
	s3 =	sadd.s32 s4, s19  }
0x9c: {  	s7 =	simm.s32 $0x0;
	s20 =	sshll.u32 s5, $0x1;
	s5 =	sadd.s32 s21, s3  }
0x9d: {  	[timem:s7], [sflag:s22] =	dma.local [hbm:s5], s20  }
0x9e: {  	_ =	swait.ge [sflag:s22], s20  }
0x9f: {  	s4 =	ssub.s32 $0x0, s20;
	[sflag:s22] =	ssyncset.done $0x0  }
0xa0: {  	[sflag:s22] =	ssyncadd.s32 s4;
	_ =	sdelay $0x1  }
0xa1: {  	s23 =	simm.s32 $0x1B8B  }
0xa2: {  	_ =	swait.ge [sflag:s23], $0x1  }
0xa3: {  	[sflag:s23] =	ssyncset.done $0x0  }
0xa4: {  	s25 =	simm.s32 $0x1B8E;
	s24 =	sld [smem:$0x3FFE];
	[sflag:s23] =	ssyncadd.s32 $0xFFFFFFFF  }
0xa5: {  	s26 =	simm.s32 $execute0_lowered;
	[smem:$0x3FD2] =	sst s25  }
0xa6: {  	s5 =	sshll.u32 s26, $0x1;
	_ =	strace $0x80000049;
	[dreg:$0x1] =	wrdreg $0xFFFFFFFF  }
0xa7: {  	s28 =	simm.s32 $_size_execute0_lowered;
	s3 =	sadd.s32 s3, s5;
	[dreg:$0x0] =	wrdreg $0x0  }
0xa8: {  	s5 =	sshll.u32 s28, $0x1;
	[dreg:$0x2] =	wrdreg s3  }
0xa9: {  	[dreg:$0x3] =	wrdreg s5  }
0xaa: {  	[dreg:$0x4] =	wrdreg $0xC0  }
0xab: {  	_ =	task [dreg:s7], $0x5FFFF  }
0xac: {  	[dreg:$0x1] =	wrdreg $0xFFFFFFFF  }
0xad: {  	[dreg:$0x0] =	wrdreg $0x60  }
0xae: {  	[dreg:$0x2] =	wrdreg s2  }
0xaf: {  	[dreg:$0x3] =	wrdreg s24  }
0xb0: {  	[dreg:$0x4] =	wrdreg $0xA8000  }
0xb1: {  	[dreg:$0x5] =	wrdreg $0x9  }
0xb2: {  	_ =	task.clear_ibuf [dreg:s7], $0x6FFFF;
	_ =	strace $0x90000049  }
0xb3: {  	s29 =	simm.s32 $0x9;
	_ =	strace $0x8000004B  }
0xb4: {  	_ =	swait.ge [sflag:s29], $0x1  }
0xb5: {  	[sflag:s29] =	ssyncadd.s32 $0xFFFFFFFF  }
0xb6: {  	_ =	strace $0x9000004B  }
0xb7: {  	_ =	sfence  }
0xb8: {  	s30 =	sld [smem:$0x0];
	_ =	sdelay $0x2  }
0xb9: {  	s31 =	sshll.u32 s1, $0xD;
	s1 =	sshrl.u32 s1, $0x2  }
0xba: {  	s3 =	sand.u32 $0x4000, s31;
	s1 =	sadd.s32 s1, s30  }
0xbb: {  	s0 =	sor.u32 s3, s0;
	s1 =	sshll.u32 s1, $0x11  }
0xbc: {  	s0 =	sor.u32 s1, s0  }
0xbd: {  	s0 =	sadd.s32 $0x8F2B, s0  }
0xbe: {  	[sflag:s0] =	ssyncadd.remote.s32 $0x1  }
0xbf: {  	_ =	sfence.sel $0xFFFF  }
0xc0: {  	[dreg:$0x0] =	wrdreg $0xFFFFFFFF;
	(pc) =	sbr.abs _section_cstart, $3  }
0xc1: {  	[dreg:$0x1] =	wrdreg $0xFFFFFFFF  }
0xc2: {  	_ =	task.clear_ibuf [dreg:s7], $0x2FFFF;
	_ =	strace $0x9FFFFFFF  }
0xc3: {  	(tm) =	ssettm $0x7FFFFFFF  }
tec
execute0_lowered:
.L_overlay_start_1:
0x0: {  	(tag) =	ssettag $0x1  }
0x1: {  	s1 =	rddreg [dreg:$0x0]  }
0x2: {  	s12 =	rddreg [dreg:$0x1];
	s2 =	srdreg.scid  }
0x3: {  	s0 =	stileid.u32;
	s3 =	rddreg [dreg:$0x2]  }
0x4: {  	s4 =	simm.s32 $0x0;
	s16 =	simm.s32 $0xC0800;
	s17 =	simm.s32 $0x3  }
0x5: {  	s18 =	simm.s32 $0x1400;
	s19 =	simm.s32 $0x80;
	s20 =	simm.s32 $0x6800  }
0x6: {  	s21 =	simm.s32 $0x1;
	s22 =	simm.s32 $0x2;
	s23 =	simm.s32 $0x1380  }
0x7: {  	s24 =	simm.s32 $0x2700;
	s25 =	simm.s32 $0x2780;
	s11 =	smul.u32 $0x2800, s0  }
0x8: {  	s26 =	simm.s32 $0x0;
	s10 =	sand.u32 $0x1, s2;
	s6 =	smul.u32 $0x50000, s0  }
0x9: {  	[smem:$0x7FF] =	sst s4;
	s15 =	sadd.s32 $0x2800, s12;
	s5 =	smul.u32 $0x28000, s10  }
0xa: {  	_ =	strace $0x8000004A;
	s7 =	ssub.s32 $0x2, s10;
	p0 =	seq.s32 s10, $0x1  }
0xb: {  	s8 =	sshrl.u32 s7, $0x1;
	s6 =	sshrl.u32 s6, $0x2;
	s29 =	sshrl.u32 s11, $0x3  }
0xc: {  	s16 =	simm.s32 @!p0 $0x7800;
	s5 =	sadd.s32 s11, s5;
	s14 =	ssub.s32 s7, s8  }
0xd: {  	s30 =	sadd.s32 s16, s12;
	s31 =	sadd.s32 $0x280, s29;
	s16 =	simm.s32 $0x2800  }
0xe: {  	s13 =	sadd.s32 s5, s12;
	s5 =	sadd.s32 s6, s3;
	s11 =	smax.u32 s14, $0x1  }
0xf: {  	s12 =	sadd.s32 s30, s29;
	s14 =	sadd.s32 s30, s31;
	s6 =	sadd.s32 $0x4000, s5  }
0x10: {  	s7 =	sadd.s32 $0x8000, s5;
	s8 =	sadd.s32 $0xC000, s5;
	s9 =	sadd.s32 $0x10000, s5  }
0x11: {  	v0 =	vimm.f32 $0.0e+00;
	s10 =	sadd.s32 $0xC5800, s13;
	s13 =	sadd.s32 s15, s29;
	s15 =	sadd.s32 s15, s31  }
.LBB2_1:
0x12: {  	s28 =	sand.u32 $0xFE00, s4  }
0x13: {  	s29 =	sand.u32 $0x70, s4;
	s30 =	sshrl.u32 s28, $0x2  }
0x14: {  	s28 =	simm.s32 $0x40;
	s30 =	sor.u32 s29, s30;
	s29 =	simm.s32 $0x0  }
.LBB2_2:
0x15: {  	p0 =	sne.s32 s28, $0xFFC0  }
0x16: {  	[tilespmem:s30+$0x2800] =	vst v0;
	s29 =	sadd.s32 $0x10, s29;
	s30 =	smov.u32 s28;
	s28 =	sadd.s32 $0x40, s28  }
.Ltmp0:
0x17: {  	(pc) =	sbr.rel @p0 .LBB2_2-.Ltmp0, $4  }
0x18: {  	_ = 	snop  }
0x19: {  	s30 =	sand.u32 $0xFE00, s30  }
0x1a: {  	s31 =	sand.u32 $0x70, s29;
	s30 =	sshrl.u32 s30, $0x2  }
0x1b: {  	s30 =	sor.u32 s31, s30  }
0x1c: {  	[tilespmem:s30+$0x2800] =	vst v0  }
0x1d: {  	[spmem:s5] =	stream.linear.scatter [tilespmem:s16], [sflag:$0x3], $0x4000, $0x38;
	[tilespmem:$0x1E800] =	vst v63  }
0x1e: {  	_ =	swait.ge [sflag:s17], $0x4000  }
0x1f: {  	[sflag:s17] =	ssyncset.done $0x0  }
0x20: {  	[sflag:s17] =	ssyncadd.s32 $0xFFFFC000  }
0x21: {  	[spmem:s6] =	stream.linear.scatter [tilespmem:s16], [sflag:$0x3], $0x4000, $0x38;
	[tilespmem:$0x1E800] =	vst v63  }
0x22: {  	_ =	swait.ge [sflag:s17], $0x4000  }
0x23: {  	[sflag:s17] =	ssyncset.done $0x0  }
0x24: {  	[sflag:s17] =	ssyncadd.s32 $0xFFFFC000  }
0x25: {  	[spmem:s7] =	stream.linear.scatter [tilespmem:s16], [sflag:$0x3], $0x4000, $0x38;
	[tilespmem:$0x1E800] =	vst v63  }
0x26: {  	_ =	swait.ge [sflag:s17], $0x4000  }
0x27: {  	[sflag:s17] =	ssyncset.done $0x0  }
0x28: {  	[sflag:s17] =	ssyncadd.s32 $0xFFFFC000  }
0x29: {  	[spmem:s8] =	stream.linear.scatter [tilespmem:s16], [sflag:$0x3], $0x4000, $0x38;
	[tilespmem:$0x1E800] =	vst v63  }
0x2a: {  	_ =	swait.ge [sflag:s17], $0x4000  }
0x2b: {  	[sflag:s17] =	ssyncset.done $0x0  }
0x2c: {  	[sflag:s17] =	ssyncadd.s32 $0xFFFFC000  }
0x2d: {  	[spmem:s9] =	stream.linear.scatter [tilespmem:s16], [sflag:$0x3], $0x4000, $0x38;
	[tilespmem:$0x1E800] =	vst v63  }
0x2e: {  	_ =	swait.ge [sflag:s17], $0x4000  }
0x2f: {  	[sflag:s17] =	ssyncset.done $0x0  }
0x30: {  	[sflag:s17] =	ssyncadd.s32 $0xFFFFC000  }
0x31: {  	s28 =	simm.s32 $0x0;
	[bflag:$0x0] =	sbarrier.arrive $0xFFFF  }
0x32: {  	[tilespmem:s28], [sflag:$0x3] =	stream.linear.gather [hbm4b:s12+s28], $0x1400, $0x38;
	[tilespmem:$0x1E800] =	vst v63  }
0x33: {  	_ =	swait.ge [sflag:s17], $0x1400  }
0x34: {  	[sflag:s17] =	ssyncset.done $0x0  }
0x35: {  	[sflag:s17] =	ssyncadd.s32 $0xFFFFEC00  }
0x36: {  	[tilespmem:s18], [sflag:$0x3] =	stream.linear.gather [hbm4b:s13+s28], $0x1400, $0x38;
	[tilespmem:$0x1E800] =	vst v63  }
0x37: {  	_ =	swait.ge [sflag:s17], $0x1400  }
0x38: {  	[sflag:s17] =	ssyncset.done $0x0  }
0x39: {  	[sflag:s17] =	ssyncadd.s32 $0xFFFFEC00  }
0x3a: {  	[tilespmem:s16], [sflag:$0x1] =	stream.indirect.gather [hbm4b:s1+s19], $0x80, s28, s19, $0xb8;
	[tilespmem:$0x1E800] =	vst v63  }
0x3b: {  	s28 =	simm.s32 $0x80  }
0x3c: {  	[tilespmem:s20], [sflag:$0x2] =	stream.indirect.gather [hbm4b:s1+s19], $0x80, s28, s19, $0xb8;
	[tilespmem:$0x1E800] =	vst v63  }
0x3d: {  	_ =	swait.ge [sflag:s21], $0x4000  }
0x3e: {  	[sflag:s21] =	ssyncset.done $0x0  }
0x3f: {  	s28 =	simm.s32 $0x1400;
	[sflag:s21] =	ssyncadd.s32 $0xFFFFC000  }
0x40: {  	[spmem:s3] =	stream.indirect.scatter.add.f32 [tilespmem:s16], [sflag:$0x3], $0x80, s28, s19, $0xb8;
	[tilespmem:$0x1E800] =	vst v63  }
0x41: {  	_ =	swait.ge [sflag:s17], $0x4000  }
0x42: {  	[sflag:s17] =	ssyncset.done $0x0  }
0x43: {  	s28 =	simm.s32 $0x100;
	[sflag:s17] =	ssyncadd.s32 $0xFFFFC000  }
0x44: {  	[tilespmem:s16], [sflag:$0x1] =	stream.indirect.gather [hbm4b:s1+s19], $0x80, s28, s19, $0xb8;
	[tilespmem:$0x1E800] =	vst v63  }
0x45: {  	_ =	swait.ge [sflag:s22], $0x4000  }
0x46: {  	[sflag:s22] =	ssyncset.done $0x0  }
0x47: {  	s28 =	simm.s32 $0x1480;
	[sflag:s22] =	ssyncadd.s32 $0xFFFFC000  }
0x48: {  	[spmem:s3] =	stream.indirect.scatter.add.f32 [tilespmem:s20], [sflag:$0x3], $0x80, s28, s19, $0xb8;
	[tilespmem:$0x1E800] =	vst v63  }
0x49: {  	_ =	swait.ge [sflag:s17], $0x4000  }
0x4a: {  	s29 =	simm.s32 $0x800;
	s28 =	simm.s32 $0x100;
	[sflag:s17] =	ssyncset.done $0x0  }
.LBB2_4:
0x4b: {  	s30 =	sadd.s32 $0x80, s28  }
0x4c: {  	[sflag:s17] =	ssyncadd.s32 $0xFFFFC000;
	s31 =	smov.u32 s29;
	s2 =	sadd.s32 $0x400, s29  }
0x4d: {  	[tilespmem:s20], [sflag:$0x2] =	stream.indirect.gather [hbm4b:s1+s19], $0x80, s30, s19, $0xb8;
	[tilespmem:$0x1E800] =	vst v63  }
0x4e: {  	p0 =	sne.s32 s29, $0x4800;
	_ =	swait.ge [sflag:s21], $0x4000  }
0x4f: {  	[sflag:s21] =	ssyncset.done $0x0  }
0x50: {  	s29 =	sadd.s32 $0x1400, s28;
	[sflag:s21] =	ssyncadd.s32 $0xFFFFC000  }
0x51: {  	[spmem:s3] =	stream.indirect.scatter.add.f32 [tilespmem:s16], [sflag:$0x3], $0x80, s29, s19, $0xb8;
	[tilespmem:$0x1E800] =	vst v63  }
0x52: {  	_ =	swait.ge [sflag:s17], $0x4000  }
0x53: {  	[sflag:s17] =	ssyncset.done $0x0  }
0x54: {  	s29 =	sadd.s32 $0x100, s28;
	[sflag:s17] =	ssyncadd.s32 $0xFFFFC000  }
0x55: {  	[tilespmem:s16], [sflag:$0x1] =	stream.indirect.gather [hbm4b:s1+s19], $0x80, s29, s19, $0xb8;
	[tilespmem:$0x1E800] =	vst v63  }
0x56: {  	_ =	swait.ge [sflag:s22], $0x4000  }
.Ltmp1:
0x57: {  	[sflag:s22] =	ssyncset.done $0x0;
	(pc) =	sbr.rel @p0 .LBB2_4-.Ltmp1, $4  }
0x58: {  	s28 =	sadd.s32 $0x1480, s28;
	[sflag:s22] =	ssyncadd.s32 $0xFFFFC000  }
0x59: {  	[spmem:s3] =	stream.indirect.scatter.add.f32 [tilespmem:s20], [sflag:$0x3], $0x80, s28, s19, $0xb8;
	[tilespmem:$0x1E800] =	vst v63  }
0x5a: {  	_ =	swait.ge [sflag:s17], $0x4000  }
0x5b: {  	s29 =	smov.u32 s2;
	s28 =	sshra.s32 s31, $0x2;
	[sflag:s17] =	ssyncset.done $0x0  }
0x5c: {  	s2 =	sadd.s32 $0x80, s28;
	[sflag:s17] =	ssyncadd.s32 $0xFFFFC000  }
0x5d: {  	[tilespmem:s20], [sflag:$0x2] =	stream.indirect.gather [hbm4b:s1+s19], $0x80, s2, s19, $0xb8;
	[tilespmem:$0x1E800] =	vst v63  }
0x5e: {  	_ =	swait.ge [sflag:s21], $0x4000  }
0x5f: {  	[sflag:s21] =	ssyncset.done $0x0  }
0x60: {  	s30 =	sadd.s32 $0x1400, s28;
	[sflag:s21] =	ssyncadd.s32 $0xFFFFC000  }
0x61: {  	[spmem:s3] =	stream.indirect.scatter.add.f32 [tilespmem:s16], [sflag:$0x3], $0x80, s30, s19, $0xb8;
	[tilespmem:$0x1E800] =	vst v63  }
0x62: {  	_ =	swait.ge [sflag:s17], $0x4000  }
0x63: {  	[sflag:s17] =	ssyncset.done $0x0  }
0x64: {  	s31 =	sadd.s32 $0x100, s28;
	[sflag:s17] =	ssyncadd.s32 $0xFFFFC000  }
0x65: {  	[tilespmem:s16], [sflag:$0x1] =	stream.indirect.gather [hbm4b:s1+s19], $0x80, s31, s19, $0xb8;
	[tilespmem:$0x1E800] =	vst v63  }
0x66: {  	_ =	swait.ge [sflag:s22], $0x4000  }
0x67: {  	[sflag:s22] =	ssyncset.done $0x0  }
0x68: {  	s30 =	sadd.s32 $0x1480, s28;
	[sflag:s22] =	ssyncadd.s32 $0xFFFFC000  }
0x69: {  	[spmem:s3] =	stream.indirect.scatter.add.f32 [tilespmem:s20], [sflag:$0x3], $0x80, s30, s19, $0xb8;
	[tilespmem:$0x1E800] =	vst v63  }
0x6a: {  	_ =	swait.ge [sflag:s17], $0x4000  }
0x6b: {  	[sflag:s17] =	ssyncset.done $0x0  }
0x6c: {  	[sflag:s17] =	ssyncadd.s32 $0xFFFFC000  }
0x6d: {  	[tilespmem:s20], [sflag:$0x2] =	stream.indirect.gather [hbm4b:s1+s19], $0x80, s23, s19, $0xb8;
	[tilespmem:$0x1E800] =	vst v63  }
0x6e: {  	_ =	swait.ge [sflag:s21], $0x4000  }
0x6f: {  	[sflag:s21] =	ssyncset.done $0x0  }
0x70: {  	[sflag:s21] =	ssyncadd.s32 $0xFFFFC000  }
0x71: {  	[spmem:s3] =	stream.indirect.scatter.add.f32 [tilespmem:s16], [sflag:$0x3], $0x80, s24, s19, $0xb8;
	[tilespmem:$0x1E800] =	vst v63  }
0x72: {  	_ =	swait.ge [sflag:s17], $0x4000  }
0x73: {  	[sflag:s17] =	ssyncset.done $0x0  }
0x74: {  	[sflag:s17] =	ssyncadd.s32 $0xFFFFC000  }
0x75: {  	_ =	swait.ge [sflag:s22], $0x4000  }
0x76: {  	[sflag:s22] =	ssyncset.done $0x0  }
0x77: {  	[sflag:s22] =	ssyncadd.s32 $0xFFFFC000  }
0x78: {  	[spmem:s3] =	stream.indirect.scatter.add.f32 [tilespmem:s20], [sflag:$0x3], $0x80, s25, s19, $0xb8;
	[tilespmem:$0x1E800] =	vst v63  }
0x79: {  	_ =	swait.ge [sflag:s17], $0x4000  }
0x7a: {  	[sflag:s17] =	ssyncset.done $0x0  }
0x7b: {  	s31 =	simm.s32 $0x0;
	[sflag:s17] =	ssyncadd.s32 $0xFFFFC000  }
0x7c: {  	[tilespmem:s31], [sflag:$0x3] =	stream.linear.gather [hbm4b:s14+s31], $0x1400, $0x38;
	[tilespmem:$0x1E800] =	vst v63  }
0x7d: {  	_ =	swait.ge [sflag:s17], $0x1400  }
0x7e: {  	[sflag:s17] =	ssyncset.done $0x0  }
0x7f: {  	[sflag:s17] =	ssyncadd.s32 $0xFFFFEC00  }
0x80: {  	[tilespmem:s18], [sflag:$0x3] =	stream.linear.gather [hbm4b:s15+s31], $0x1400, $0x38;
	[tilespmem:$0x1E800] =	vst v63  }
0x81: {  	_ =	swait.ge [sflag:s17], $0x1400  }
0x82: {  	[sflag:s17] =	ssyncset.done $0x0  }
0x83: {  	[sflag:s17] =	ssyncadd.s32 $0xFFFFEC00  }
0x84: {  	[tilespmem:s16], [sflag:$0x1] =	stream.indirect.gather [hbm4b:s1+s19], $0x80, s31, s19, $0xb8;
	[tilespmem:$0x1E800] =	vst v63  }
0x85: {  	s30 =	simm.s32 $0x80  }
0x86: {  	[tilespmem:s20], [sflag:$0x2] =	stream.indirect.gather [hbm4b:s1+s19], $0x80, s30, s19, $0xb8;
	[tilespmem:$0x1E800] =	vst v63  }
0x87: {  	_ =	swait.ge [sflag:s21], $0x4000  }
0x88: {  	[sflag:s21] =	ssyncset.done $0x0  }
0x89: {  	s31 =	simm.s32 $0x1400;
	[sflag:s21] =	ssyncadd.s32 $0xFFFFC000  }
0x8a: {  	[spmem:s3] =	stream.indirect.scatter.add.f32 [tilespmem:s16], [sflag:$0x3], $0x80, s31, s19, $0xb8;
	[tilespmem:$0x1E800] =	vst v63  }
0x8b: {  	_ =	swait.ge [sflag:s17], $0x4000  }
0x8c: {  	[sflag:s17] =	ssyncset.done $0x0  }
0x8d: {  	s30 =	simm.s32 $0x100;
	[sflag:s17] =	ssyncadd.s32 $0xFFFFC000  }
0x8e: {  	[tilespmem:s16], [sflag:$0x1] =	stream.indirect.gather [hbm4b:s1+s19], $0x80, s30, s19, $0xb8;
	[tilespmem:$0x1E800] =	vst v63  }
0x8f: {  	_ =	swait.ge [sflag:s22], $0x4000  }
0x90: {  	[sflag:s22] =	ssyncset.done $0x0  }
0x91: {  	s31 =	simm.s32 $0x1480;
	[sflag:s22] =	ssyncadd.s32 $0xFFFFC000  }
0x92: {  	[spmem:s3] =	stream.indirect.scatter.add.f32 [tilespmem:s20], [sflag:$0x3], $0x80, s31, s19, $0xb8;
	[tilespmem:$0x1E800] =	vst v63  }
0x93: {  	_ =	swait.ge [sflag:s17], $0x4000  }
0x94: {  	s29 =	simm.s32 $0x800;
	s28 =	simm.s32 $0x100;
	[sflag:s17] =	ssyncset.done $0x0  }
.LBB2_6:
0x95: {  	s2 =	sadd.s32 $0x80, s28  }
0x96: {  	[sflag:s17] =	ssyncadd.s32 $0xFFFFC000;
	s30 =	smov.u32 s29;
	s31 =	sadd.s32 $0x400, s29  }
0x97: {  	[tilespmem:s20], [sflag:$0x2] =	stream.indirect.gather [hbm4b:s1+s19], $0x80, s2, s19, $0xb8;
	[tilespmem:$0x1E800] =	vst v63  }
0x98: {  	p0 =	sne.s32 s29, $0x4800;
	_ =	swait.ge [sflag:s21], $0x4000  }
0x99: {  	[sflag:s21] =	ssyncset.done $0x0  }
0x9a: {  	s2 =	sadd.s32 $0x1400, s28;
	[sflag:s21] =	ssyncadd.s32 $0xFFFFC000  }
0x9b: {  	[spmem:s3] =	stream.indirect.scatter.add.f32 [tilespmem:s16], [sflag:$0x3], $0x80, s2, s19, $0xb8;
	[tilespmem:$0x1E800] =	vst v63  }
0x9c: {  	_ =	swait.ge [sflag:s17], $0x4000  }
0x9d: {  	[sflag:s17] =	ssyncset.done $0x0  }
0x9e: {  	s2 =	sadd.s32 $0x100, s28;
	[sflag:s17] =	ssyncadd.s32 $0xFFFFC000  }
0x9f: {  	[tilespmem:s16], [sflag:$0x1] =	stream.indirect.gather [hbm4b:s1+s19], $0x80, s2, s19, $0xb8;
	[tilespmem:$0x1E800] =	vst v63  }
0xa0: {  	_ =	swait.ge [sflag:s22], $0x4000  }
.Ltmp2:
0xa1: {  	[sflag:s22] =	ssyncset.done $0x0;
	(pc) =	sbr.rel @p0 .LBB2_6-.Ltmp2, $4  }
0xa2: {  	s2 =	sadd.s32 $0x1480, s28;
	[sflag:s22] =	ssyncadd.s32 $0xFFFFC000  }
0xa3: {  	[spmem:s3] =	stream.indirect.scatter.add.f32 [tilespmem:s20], [sflag:$0x3], $0x80, s2, s19, $0xb8;
	[tilespmem:$0x1E800] =	vst v63  }
0xa4: {  	_ =	swait.ge [sflag:s17], $0x4000  }
0xa5: {  	s29 =	smov.u32 s31;
	s28 =	sshra.s32 s30, $0x2;
	[sflag:s17] =	ssyncset.done $0x0  }
0xa6: {  	s2 =	sadd.s32 $0x80, s28;
	[sflag:s17] =	ssyncadd.s32 $0xFFFFC000  }
0xa7: {  	[tilespmem:s20], [sflag:$0x2] =	stream.indirect.gather [hbm4b:s1+s19], $0x80, s2, s19, $0xb8;
	[tilespmem:$0x1E800] =	vst v63  }
0xa8: {  	_ =	swait.ge [sflag:s21], $0x4000  }
0xa9: {  	[sflag:s21] =	ssyncset.done $0x0  }
0xaa: {  	s30 =	sadd.s32 $0x1400, s28;
	[sflag:s21] =	ssyncadd.s32 $0xFFFFC000  }
0xab: {  	[spmem:s3] =	stream.indirect.scatter.add.f32 [tilespmem:s16], [sflag:$0x3], $0x80, s30, s19, $0xb8;
	[tilespmem:$0x1E800] =	vst v63  }
0xac: {  	_ =	swait.ge [sflag:s17], $0x4000  }
0xad: {  	[sflag:s17] =	ssyncset.done $0x0  }
0xae: {  	s31 =	sadd.s32 $0x100, s28;
	[sflag:s17] =	ssyncadd.s32 $0xFFFFC000  }
0xaf: {  	[tilespmem:s16], [sflag:$0x1] =	stream.indirect.gather [hbm4b:s1+s19], $0x80, s31, s19, $0xb8;
	[tilespmem:$0x1E800] =	vst v63  }
0xb0: {  	_ =	swait.ge [sflag:s22], $0x4000  }
0xb1: {  	[sflag:s22] =	ssyncset.done $0x0  }
0xb2: {  	s29 =	sadd.s32 $0x1480, s28;
	[sflag:s22] =	ssyncadd.s32 $0xFFFFC000  }
0xb3: {  	[spmem:s3] =	stream.indirect.scatter.add.f32 [tilespmem:s20], [sflag:$0x3], $0x80, s29, s19, $0xb8;
	[tilespmem:$0x1E800] =	vst v63  }
0xb4: {  	_ =	swait.ge [sflag:s17], $0x4000  }
0xb5: {  	[sflag:s17] =	ssyncset.done $0x0  }
0xb6: {  	[sflag:s17] =	ssyncadd.s32 $0xFFFFC000  }
0xb7: {  	[tilespmem:s20], [sflag:$0x2] =	stream.indirect.gather [hbm4b:s1+s19], $0x80, s23, s19, $0xb8;
	[tilespmem:$0x1E800] =	vst v63  }
0xb8: {  	_ =	swait.ge [sflag:s21], $0x4000  }
0xb9: {  	[sflag:s21] =	ssyncset.done $0x0  }
0xba: {  	[sflag:s21] =	ssyncadd.s32 $0xFFFFC000  }
0xbb: {  	[spmem:s3] =	stream.indirect.scatter.add.f32 [tilespmem:s16], [sflag:$0x3], $0x80, s24, s19, $0xb8;
	[tilespmem:$0x1E800] =	vst v63  }
0xbc: {  	_ =	swait.ge [sflag:s17], $0x4000  }
0xbd: {  	[sflag:s17] =	ssyncset.done $0x0  }
0xbe: {  	[sflag:s17] =	ssyncadd.s32 $0xFFFFC000  }
0xbf: {  	_ =	swait.ge [sflag:s22], $0x4000  }
0xc0: {  	[sflag:s22] =	ssyncset.done $0x0  }
0xc1: {  	[sflag:s22] =	ssyncadd.s32 $0xFFFFC000  }
0xc2: {  	[spmem:s3] =	stream.indirect.scatter.add.f32 [tilespmem:s20], [sflag:$0x3], $0x80, s25, s19, $0xb8;
	[tilespmem:$0x1E800] =	vst v63  }
0xc3: {  	_ =	swait.ge [sflag:s17], $0x4000  }
0xc4: {  	s26 =	sadd.s32 $0x1, s26;
	s30 =	sshll.u32 s0, $0x6;
	[sflag:s17] =	ssyncset.done $0x0  }
0xc5: {  	p0 =	sne.s32 s26, s11;
	s2 =	sor.u32 $0x1C03, s30;
	[sflag:s17] =	ssyncadd.s32 $0xFFFFC000  }
.Ltmp3:
0xc6: {  	s31 =	sshrl.u32 s5, $0x3;
	[bflag:$0x0] =	sbarrier.arrive $0xFFFF;
	(pc) =	sbr.rel @p0 .LBB2_1-.Ltmp3, $4  }
0xc7: {  	[hbm:s10], [sflag:s2] =	dma.local [spmem:s31], $0x2800  }
0xc8: {  	_ =	swait.ge [sflag:s17], $0x2800  }
0xc9: {  	[sflag:s17] =	ssyncset.done $0x0  }
0xca: {  	[sflag:s17] =	ssyncadd.s32 $0xFFFFD800  }
0xcb: {  	_ =	sfence.sel $0x180000  }
0xcc: {  	[bflag:$0x0] =	sbarrier.arrive $0xFFFF  }
0xcd: {  	_ =	strace $0x9000004A  }
0xce: {  	[bflag:$0x2] =	sbarrier.arrive $0xFFFF  }
0xcf: {  	p0 =	sne.s32 s0, $0x0;
	s0 =	rddreg [dreg:$0x3]  }
0xd0: {  	s0 =	sadd.s32 @!p0 $0x100000, s0  }
0xd1: {  	[sflag:s0] =	ssyncadd.tile.s32 @!p0 $0x1;
	_ =	shalt  }
.Lfunc_end2:
_tile_overlayer_lowered:
.L_overlay_start_2:
0xd2: {  	(tag) =	ssettag $0x2  }
0xd3: {  	s0 =	rddreg [dreg:$0x0];
	s2 =	stileid.u32  }
0xd4: {  	s1 =	rddreg [dreg:$0x1];
	p0 =	sne.s32 s2, $0x0  }
0xd5: {  	s3 =	rddreg [dreg:$0x2];
	[bflag:$0x3] =	sbarrier.arrive $0xFFFF;
	s2 =	simm.s32 @!p0 $0x1C03  }
0xd6: {  	[timem:s3], [sflag:s2] =	dma.local @!p0 [hbm:s0], s1  }
0xd7: {  	s0 =	simm.s32 @!p0 $0x3  }
0xd8: {  	_ =	swait.ge @!p0 [sflag:s0], s1  }
0xd9: {  	s1 =	ssub.s32 @!p0 $0x0, s1;
	[sflag:s0] =	ssyncset.done @!p0 $0x0  }
0xda: {  	[sflag:s0] =	ssyncadd.s32 @!p0 s1  }
0xdb: {  	[bflag:$0x3] =	sbarrier.arrive $0xFFFF  }
0xdc: {  	_ =	shalt  }

// kernel: kernel.15.cloned.1.call-start
scs
__scs_entry_jumppad:
0x0: {  	(pc) =	sbr.rel $0x88, $3  }
0x1: {  	(tag) =	ssettag $0x0;
	lr =	simm.s32 $0x1  }
0x2: {  	[smem:$0x3F97] =	sst lr;
	_ =	strace $0xD0000000  }
0x3: {  	_ = 	snop  }
0x4: {  	_ = 	snop  }
0x5: {  	_ = 	snop  }
0x6: {  	_ = 	snop  }
0x7: {  	_ = 	snop  }
__scs_overlays_trampoline_lowered:
0x8: {  	[smem:$0x3FA6] =	sst s0  }
0x9: {  	[smem:$0x3FA7] =	sst s1  }
0xa: {  	[smem:$0x3FA8] =	sst s2  }
0xb: {  	[smem:$0x3FA9] =	sst s3  }
0xc: {  	[smem:$0x3FAA] =	sst s4  }
0xd: {  	[smem:$0x3FAB] =	sst s5  }
0xe: {  	[smem:$0x3FAC] =	sst s6  }
0xf: {  	[smem:$0x3FAD] =	sst s7  }
0x10: {  	[smem:$0x3FAE] =	sst s8  }
0x11: {  	[smem:$0x3FAF] =	sst s9;
	s0 =	simm.s32 @!p0 $0x0  }
0x12: {  	s1 =	sld [smem:$0x3F95];
	s0 =	simm.s32 @p0 $0x1  }
0x13: {  	[smem:$0x3FB0] =	sst s0;
	s0 =	simm.s32 @!p1 $0x0  }
0x14: {  	s2 =	sld [smem:$0x3F94];
	s0 =	simm.s32 @p1 $0x1  }
0x15: {  	[smem:$0x3FB1] =	sst s0;
	s0 =	simm.s32 @!p2 $0x0  }
0x16: {  	s3 =	sld [smem:$0x3FDB];
	s0 =	simm.s32 @p2 $0x1  }
0x17: {  	s4 =	simm.s32 $0x1BF5;
	[smem:$0x3FB3] =	sst s0  }
0x18: {  	s0 =	sld [smem:$0x3F96];
	_ =	swait.ge [sflag:s4], $0x0  }
0x19: {  	s7 =	sld [smem:$0x3F97]  }
0x1a: {  	s8 =	sadd.s32 $0xFFFFE003, lr  }
0x1b: {  	s9 =	sadd.s32 $0xFFFFFEF7, lr;
	s5 =	simm.s32 $0xFFFFFFFF;
	p2 =	slt.u32 s8, $0xFFFFF086  }
0x1c: {  	p1 =	slt.u32 s9, $0xF7A;
	s5 =	simm.s32 @!p2 $0x0  }
0x1d: {  	s5 =	simm.s32 @p1 $0x1;
	p0 =	seq.s32 s7, s2  }
0x1e: {  	s7 =	smul.u32 @!p0 $0xF7A, s2;
	p2 =	seq.s32 @!p0 s5, $0x0  }
0x1f: {  	s9 =	smul.u32 $0xF7A, s1;
	s8 =	simm.s32 @!p0 $0x1BF5;
	p2 =	por !p2, p0  }
0x20: {  	[sflag:s8] =	ssyncset.s32 @!p0 $0xFFFFF086;
	s6 =	sadd.s32 @!p0 s3, s7;
	s7 =	simm.s32 @!p0 $0x108  }
0x21: {  	s3 =	sadd.s32 s3, s9;
	s6 =	sadd.s32 @!p0 $0x88, s6;
	s7 =	simm.s32 @p2 $0x1082  }
0x22: {  	[simem:s7], [sflag:s8] =	dma.local @!p0 [hbm:s6], $0xF7A  }
0x23: {  	s9 =	sor.u32 $0xD0000000, s2;
	s6 =	simm.s32 $0x108;
	_ =	swait.ge @!p0 [sflag:s8], $0x0  }
0x24: {  	s3 =	sadd.s32 $0x88, s3;
	s6 =	simm.s32 @!p1 $0x1082;
	[sflag:s4] =	ssyncset.s32 $0xFFFFF086  }
0x25: {  	[simem:s6], [sflag:s4] =	dma.local [hbm:s3], $0xF7A  }
0x26: {  	[smem:$0x3F97] =	sst s1;
	(tag) =	ssettag s2;
	_ =	strace s9  }
0x27: {  	s1 =	sld [smem:$0x3FA7]  }
0x28: {  	s2 =	sld [smem:$0x3FA8]  }
0x29: {  	s4 =	sld [smem:$0x3FAA]  }
0x2a: {  	p0 =	seq.s32 s5, $0x0;
	s5 =	sld [smem:$0x3FAB]  }
0x2b: {  	s6 =	sld [smem:$0x3FAC]  }
0x2c: {  	s7 =	sld [smem:$0x3FAD]  }
0x2d: {  	s3 =	simm.s32 $0x108;
	s8 =	sld [smem:$0x3FAE]  }
0x2e: {  	s3 =	simm.s32 @!p0 $0x1082;
	s9 =	sld [smem:$0x3FAF]  }
0x2f: {  	lr =	sadd.s32 s0, s3;
	s0 =	sld [smem:$0x3FA6]  }
0x30: {  	s3 =	sld [smem:$0x3FA9]  }
0x31: {  	[smem:$0x3FB2] =	sst s10  }
0x32: {  	s10 =	sld [smem:$0x3FB0];
	_ =	sdelay $0x3  }
0x33: {  	p0 =	seq.s32 s10, $0x1;
	s10 =	sld [smem:$0x3FB2];
	_ =	sdelay $0x3  }
0x34: {  	[smem:$0x3FB2] =	sst s10  }
0x35: {  	s10 =	sld [smem:$0x3FB1];
	_ =	sdelay $0x3  }
0x36: {  	p1 =	seq.s32 s10, $0x1;
	s10 =	sld [smem:$0x3FB2];
	_ =	sdelay $0x3  }
0x37: {  	[smem:$0x3FB2] =	sst s10  }
0x38: {  	s10 =	sld [smem:$0x3FB3]  }
0x39: {  	_ = 	snop;
	(pc) =	sbr.ind lr, $3  }
0x3a: {  	_ = 	snop  }
0x3b: {  	_ = 	snop  }
0x3c: {  	p2 =	seq.s32 s10, $0x1;
	s10 =	sld [smem:$0x3FB2]  }
0x3d: {  	_ =	shalt  }
0x3e: {  	_ =	shalt  }
0x3f: {  	_ =	shalt  }
0x40: {  	_ =	shalt  }
0x41: {  	_ =	shalt  }
0x42: {  	_ =	shalt  }
0x43: {  	_ =	shalt  }
0x44: {  	_ =	shalt  }
0x45: {  	_ =	shalt  }
0x46: {  	_ =	shalt  }
0x47: {  	_ =	shalt  }
0x48: {  	_ =	shalt  }
0x49: {  	_ =	shalt  }
0x4a: {  	_ =	shalt  }
0x4b: {  	_ =	shalt  }
0x4c: {  	_ =	shalt  }
0x4d: {  	_ =	shalt  }
0x4e: {  	_ =	shalt  }
0x4f: {  	_ =	shalt  }
0x50: {  	_ =	shalt  }
0x51: {  	_ =	shalt  }
0x52: {  	_ =	shalt  }
0x53: {  	_ =	shalt  }
0x54: {  	_ =	shalt  }
0x55: {  	_ =	shalt  }
0x56: {  	_ =	shalt  }
0x57: {  	_ =	shalt  }
0x58: {  	_ =	shalt  }
0x59: {  	_ =	shalt  }
0x5a: {  	_ =	shalt  }
0x5b: {  	_ =	shalt  }
0x5c: {  	_ =	shalt  }
0x5d: {  	_ =	shalt  }
0x5e: {  	_ =	shalt  }
0x5f: {  	_ =	shalt  }
0x60: {  	_ =	shalt  }
0x61: {  	_ =	shalt  }
0x62: {  	_ =	shalt  }
0x63: {  	_ =	shalt  }
0x64: {  	_ =	shalt  }
0x65: {  	_ =	shalt  }
0x66: {  	_ =	shalt  }
0x67: {  	_ =	shalt  }
0x68: {  	_ =	shalt  }
0x69: {  	_ =	shalt  }
0x6a: {  	_ =	shalt  }
0x6b: {  	_ =	shalt  }
0x6c: {  	_ =	shalt  }
0x6d: {  	_ =	shalt  }
0x6e: {  	_ =	shalt  }
0x6f: {  	_ =	shalt  }
0x70: {  	_ =	shalt  }
0x71: {  	_ =	shalt  }
0x72: {  	_ =	shalt  }
0x73: {  	_ =	shalt  }
0x74: {  	_ =	shalt  }
0x75: {  	_ =	shalt  }
0x76: {  	_ =	shalt  }
0x77: {  	_ =	shalt  }
0x78: {  	_ =	shalt  }
0x79: {  	_ =	shalt  }
0x7a: {  	_ =	shalt  }
0x7b: {  	_ =	shalt  }
0x7c: {  	_ =	shalt  }
0x7d: {  	_ =	shalt  }
0x7e: {  	_ =	shalt  }
0x7f: {  	_ =	shalt  }
0x80: {  	_ =	shalt  }
0x81: {  	_ =	shalt  }
0x82: {  	_ =	shalt  }
0x83: {  	_ =	shalt  }
0x84: {  	_ =	shalt  }
0x85: {  	_ =	shalt  }
0x86: {  	_ =	shalt  }
0x87: {  	_ =	shalt  }
.Lfunc_end0:
.L_simem_size_0:
called_computation.2_lowered:
.L_overlay_start_0:
0x88: {  	s2 =	sld [smem:$0x3FD9]  }
0x89: {  	s3 =	sld [smem:$0x3FFE];
	_ =	sdelay $0x1  }
0x8a: {  	s1 =	srdreg.scid  }
0x8b: {  	s0 =	sand.u32 $0x1, s1  }
0x8c: {  	s17 =	sshll.u32 s0, $0xA;
	s2 =	sadd.s32 s3, s2  }
0x8d: {  	s2 =	sadd.s32 s2, s17  }
0x8e: {  	[smem:$0x3FBE] =	sst s2  }
0x8f: {  	_ = 	snop  }
0x90: {  	s2 =	sld [smem:$0x3FD0];
	(tm) =	ssettm $0x1  }
0x91: {  	s18 =	sld [smem:$0x3FFB];
	_ =	sdelay $0x3  }
0x92: {  	_ =	strace s18  }
0x93: {  	s3 =	sld [smem:$0x3FFC];
	_ =	sdelay $0x3  }
0x94: {  	_ =	strace s3  }
0x95: {  	s3 =	sld [smem:$0x3FFD];
	_ =	sdelay $0x3  }
0x96: {  	_ =	strace s3  }
0x97: {  	_ =	strace $0x8FFFFFFF  }
0x98: {  	s19 =	sld [smem:$0x3FDB];
	_ =	sdelay $0x1  }
0x99: {  	s4 =	simm.s32 $_scs_section_size  }
0x9a: {  	s5 =	simm.s32 $_size__tile_overlayer_lowered;
	s6 =	simm.s32 $_tile_overlayer_lowered  }
0x9b: {  	s22 =	simm.s32 $0x1BFF;
	s21 =	sshll.u32 s6, $0x1;
	s3 =	sadd.s32 s4, s19  }
0x9c: {  	s7 =	simm.s32 $0x0;
	s20 =	sshll.u32 s5, $0x1;
	s5 =	sadd.s32 s21, s3  }
0x9d: {  	[timem:s7], [sflag:s22] =	dma.local [hbm:s5], s20  }
0x9e: {  	_ =	swait.ge [sflag:s22], s20  }
0x9f: {  	s4 =	ssub.s32 $0x0, s20;
	[sflag:s22] =	ssyncset.done $0x0  }
0xa0: {  	[sflag:s22] =	ssyncadd.s32 s4;
	_ =	sdelay $0x1  }
0xa1: {  	s23 =	simm.s32 $0x1B8B  }
0xa2: {  	_ =	swait.ge [sflag:s23], $0x1  }
0xa3: {  	[sflag:s23] =	ssyncset.done $0x0  }
0xa4: {  	s25 =	simm.s32 $0x1B8E;
	s24 =	sld [smem:$0x3FFE];
	[sflag:s23] =	ssyncadd.s32 $0xFFFFFFFF  }
0xa5: {  	s26 =	simm.s32 $execute0_lowered;
	[smem:$0x3FD2] =	sst s25  }
0xa6: {  	s5 =	sshll.u32 s26, $0x1;
	_ =	strace $0x8000004C;
	[dreg:$0x1] =	wrdreg $0xFFFFFFFF  }
0xa7: {  	s28 =	simm.s32 $_size_execute0_lowered;
	s3 =	sadd.s32 s3, s5;
	[dreg:$0x0] =	wrdreg $0x0  }
0xa8: {  	s5 =	sshll.u32 s28, $0x1;
	[dreg:$0x2] =	wrdreg s3  }
0xa9: {  	[dreg:$0x3] =	wrdreg s5  }
0xaa: {  	[dreg:$0x4] =	wrdreg $0xC0  }
0xab: {  	_ =	task [dreg:s7], $0x5FFFF  }
0xac: {  	[dreg:$0x1] =	wrdreg $0xFFFFFFFF  }
0xad: {  	[dreg:$0x0] =	wrdreg $0x60  }
0xae: {  	[dreg:$0x2] =	wrdreg s2  }
0xaf: {  	[dreg:$0x3] =	wrdreg s24  }
0xb0: {  	[dreg:$0x4] =	wrdreg $0xA8000  }
0xb1: {  	[dreg:$0x5] =	wrdreg $0x9  }
0xb2: {  	_ =	task.clear_ibuf [dreg:s7], $0x6FFFF;
	_ =	strace $0x9000004C  }
0xb3: {  	s29 =	simm.s32 $0x9;
	_ =	strace $0x8000004E  }
0xb4: {  	_ =	swait.ge [sflag:s29], $0x1  }
0xb5: {  	[sflag:s29] =	ssyncadd.s32 $0xFFFFFFFF  }
0xb6: {  	_ =	strace $0x9000004E  }
0xb7: {  	_ =	sfence  }
0xb8: {  	s30 =	sld [smem:$0x0];
	_ =	sdelay $0x2  }
0xb9: {  	s31 =	sshll.u32 s1, $0xD;
	s1 =	sshrl.u32 s1, $0x2  }
0xba: {  	s3 =	sand.u32 $0x4000, s31;
	s1 =	sadd.s32 s1, s30  }
0xbb: {  	s0 =	sor.u32 s3, s0;
	s1 =	sshll.u32 s1, $0x11  }
0xbc: {  	s0 =	sor.u32 s1, s0  }
0xbd: {  	s0 =	sadd.s32 $0x8F2B, s0  }
0xbe: {  	[sflag:s0] =	ssyncadd.remote.s32 $0x1  }
0xbf: {  	_ =	sfence.sel $0xFFFF  }
0xc0: {  	[dreg:$0x0] =	wrdreg $0xFFFFFFFF;
	(pc) =	sbr.abs _section_cstart, $3  }
0xc1: {  	[dreg:$0x1] =	wrdreg $0xFFFFFFFF  }
0xc2: {  	_ =	task.clear_ibuf [dreg:s7], $0x2FFFF;
	_ =	strace $0x9FFFFFFF  }
0xc3: {  	(tm) =	ssettm $0x7FFFFFFF  }
tec
execute0_lowered:
.L_overlay_start_1:
0x0: {  	(tag) =	ssettag $0x1  }
0x1: {  	s1 =	rddreg [dreg:$0x0]  }
0x2: {  	s12 =	rddreg [dreg:$0x1];
	s2 =	srdreg.scid  }
0x3: {  	s0 =	stileid.u32;
	s3 =	rddreg [dreg:$0x2]  }
0x4: {  	s4 =	simm.s32 $0x0;
	s16 =	simm.s32 $0xC0800;
	s17 =	simm.s32 $0x3  }
0x5: {  	s18 =	simm.s32 $0x1400;
	s19 =	simm.s32 $0x80;
	s20 =	simm.s32 $0x6800  }
0x6: {  	s21 =	simm.s32 $0x1;
	s22 =	simm.s32 $0x2;
	s23 =	simm.s32 $0x1380  }
0x7: {  	s24 =	simm.s32 $0x2700;
	s25 =	simm.s32 $0x2780;
	s11 =	smul.u32 $0x2800, s0  }
0x8: {  	s26 =	simm.s32 $0x0;
	s10 =	sand.u32 $0x1, s2;
	s6 =	smul.u32 $0x50000, s0  }
0x9: {  	[smem:$0x7FF] =	sst s4;
	s15 =	sadd.s32 $0x2800, s12;
	s5 =	smul.u32 $0x28000, s10  }
0xa: {  	_ =	strace $0x8000004D;
	s7 =	ssub.s32 $0x2, s10;
	p0 =	seq.s32 s10, $0x1  }
0xb: {  	s8 =	sshrl.u32 s7, $0x1;
	s6 =	sshrl.u32 s6, $0x2;
	s29 =	sshrl.u32 s11, $0x3  }
0xc: {  	s16 =	simm.s32 @!p0 $0x7800;
	s5 =	sadd.s32 s11, s5;
	s14 =	ssub.s32 s7, s8  }
0xd: {  	s30 =	sadd.s32 s16, s12;
	s31 =	sadd.s32 $0x280, s29;
	s16 =	simm.s32 $0x2800  }
0xe: {  	s13 =	sadd.s32 s5, s12;
	s5 =	sadd.s32 s6, s3;
	s11 =	smax.u32 s14, $0x1  }
0xf: {  	s12 =	sadd.s32 s30, s29;
	s14 =	sadd.s32 s30, s31;
	s6 =	sadd.s32 $0x4000, s5  }
0x10: {  	s7 =	sadd.s32 $0x8000, s5;
	s8 =	sadd.s32 $0xC000, s5;
	s9 =	sadd.s32 $0x10000, s5  }
0x11: {  	v0 =	vimm.f32 $0.0e+00;
	s10 =	sadd.s32 $0xC5800, s13;
	s13 =	sadd.s32 s15, s29;
	s15 =	sadd.s32 s15, s31  }
.LBB2_1:
0x12: {  	s28 =	sand.u32 $0xFE00, s4  }
0x13: {  	s29 =	sand.u32 $0x70, s4;
	s30 =	sshrl.u32 s28, $0x2  }
0x14: {  	s28 =	simm.s32 $0x40;
	s30 =	sor.u32 s29, s30;
	s29 =	simm.s32 $0x0  }
.LBB2_2:
0x15: {  	p0 =	sne.s32 s28, $0xFFC0  }
0x16: {  	[tilespmem:s30+$0x2800] =	vst v0;
	s29 =	sadd.s32 $0x10, s29;
	s30 =	smov.u32 s28;
	s28 =	sadd.s32 $0x40, s28  }
.Ltmp0:
0x17: {  	(pc) =	sbr.rel @p0 .LBB2_2-.Ltmp0, $4  }
0x18: {  	_ = 	snop  }
0x19: {  	s30 =	sand.u32 $0xFE00, s30  }
0x1a: {  	s31 =	sand.u32 $0x70, s29;
	s30 =	sshrl.u32 s30, $0x2  }
0x1b: {  	s30 =	sor.u32 s31, s30  }
0x1c: {  	[tilespmem:s30+$0x2800] =	vst v0  }
0x1d: {  	[spmem:s5] =	stream.linear.scatter [tilespmem:s16], [sflag:$0x3], $0x4000, $0x38;
	[tilespmem:$0x1E800] =	vst v63  }
0x1e: {  	_ =	swait.ge [sflag:s17], $0x4000  }
0x1f: {  	[sflag:s17] =	ssyncset.done $0x0  }
0x20: {  	[sflag:s17] =	ssyncadd.s32 $0xFFFFC000  }
0x21: {  	[spmem:s6] =	stream.linear.scatter [tilespmem:s16], [sflag:$0x3], $0x4000, $0x38;
	[tilespmem:$0x1E800] =	vst v63  }
0x22: {  	_ =	swait.ge [sflag:s17], $0x4000  }
0x23: {  	[sflag:s17] =	ssyncset.done $0x0  }
0x24: {  	[sflag:s17] =	ssyncadd.s32 $0xFFFFC000  }
0x25: {  	[spmem:s7] =	stream.linear.scatter [tilespmem:s16], [sflag:$0x3], $0x4000, $0x38;
	[tilespmem:$0x1E800] =	vst v63  }
0x26: {  	_ =	swait.ge [sflag:s17], $0x4000  }
0x27: {  	[sflag:s17] =	ssyncset.done $0x0  }
0x28: {  	[sflag:s17] =	ssyncadd.s32 $0xFFFFC000  }
0x29: {  	[spmem:s8] =	stream.linear.scatter [tilespmem:s16], [sflag:$0x3], $0x4000, $0x38;
	[tilespmem:$0x1E800] =	vst v63  }
0x2a: {  	_ =	swait.ge [sflag:s17], $0x4000  }
0x2b: {  	[sflag:s17] =	ssyncset.done $0x0  }
0x2c: {  	[sflag:s17] =	ssyncadd.s32 $0xFFFFC000  }
0x2d: {  	[spmem:s9] =	stream.linear.scatter [tilespmem:s16], [sflag:$0x3], $0x4000, $0x38;
	[tilespmem:$0x1E800] =	vst v63  }
0x2e: {  	_ =	swait.ge [sflag:s17], $0x4000  }
0x2f: {  	[sflag:s17] =	ssyncset.done $0x0  }
0x30: {  	[sflag:s17] =	ssyncadd.s32 $0xFFFFC000  }
0x31: {  	s28 =	simm.s32 $0x0;
	[bflag:$0x0] =	sbarrier.arrive $0xFFFF  }
0x32: {  	[tilespmem:s28], [sflag:$0x3] =	stream.linear.gather [hbm4b:s12+s28], $0x1400, $0x38;
	[tilespmem:$0x1E800] =	vst v63  }
0x33: {  	_ =	swait.ge [sflag:s17], $0x1400  }
0x34: {  	[sflag:s17] =	ssyncset.done $0x0  }
0x35: {  	[sflag:s17] =	ssyncadd.s32 $0xFFFFEC00  }
0x36: {  	[tilespmem:s18], [sflag:$0x3] =	stream.linear.gather [hbm4b:s13+s28], $0x1400, $0x38;
	[tilespmem:$0x1E800] =	vst v63  }
0x37: {  	_ =	swait.ge [sflag:s17], $0x1400  }
0x38: {  	[sflag:s17] =	ssyncset.done $0x0  }
0x39: {  	[sflag:s17] =	ssyncadd.s32 $0xFFFFEC00  }
0x3a: {  	[tilespmem:s16], [sflag:$0x1] =	stream.indirect.gather [hbm4b:s1+s19], $0x80, s28, s19, $0xb8;
	[tilespmem:$0x1E800] =	vst v63  }
0x3b: {  	s28 =	simm.s32 $0x80  }
0x3c: {  	[tilespmem:s20], [sflag:$0x2] =	stream.indirect.gather [hbm4b:s1+s19], $0x80, s28, s19, $0xb8;
	[tilespmem:$0x1E800] =	vst v63  }
0x3d: {  	_ =	swait.ge [sflag:s21], $0x4000  }
0x3e: {  	[sflag:s21] =	ssyncset.done $0x0  }
0x3f: {  	s28 =	simm.s32 $0x1400;
	[sflag:s21] =	ssyncadd.s32 $0xFFFFC000  }
0x40: {  	[spmem:s3] =	stream.indirect.scatter.add.f32 [tilespmem:s16], [sflag:$0x3], $0x80, s28, s19, $0xb8;
	[tilespmem:$0x1E800] =	vst v63  }
0x41: {  	_ =	swait.ge [sflag:s17], $0x4000  }
0x42: {  	[sflag:s17] =	ssyncset.done $0x0  }
0x43: {  	s28 =	simm.s32 $0x100;
	[sflag:s17] =	ssyncadd.s32 $0xFFFFC000  }
0x44: {  	[tilespmem:s16], [sflag:$0x1] =	stream.indirect.gather [hbm4b:s1+s19], $0x80, s28, s19, $0xb8;
	[tilespmem:$0x1E800] =	vst v63  }
0x45: {  	_ =	swait.ge [sflag:s22], $0x4000  }
0x46: {  	[sflag:s22] =	ssyncset.done $0x0  }
0x47: {  	s28 =	simm.s32 $0x1480;
	[sflag:s22] =	ssyncadd.s32 $0xFFFFC000  }
0x48: {  	[spmem:s3] =	stream.indirect.scatter.add.f32 [tilespmem:s20], [sflag:$0x3], $0x80, s28, s19, $0xb8;
	[tilespmem:$0x1E800] =	vst v63  }
0x49: {  	_ =	swait.ge [sflag:s17], $0x4000  }
0x4a: {  	s29 =	simm.s32 $0x800;
	s28 =	simm.s32 $0x100;
	[sflag:s17] =	ssyncset.done $0x0  }
.LBB2_4:
0x4b: {  	s30 =	sadd.s32 $0x80, s28  }
0x4c: {  	[sflag:s17] =	ssyncadd.s32 $0xFFFFC000;
	s31 =	smov.u32 s29;
	s2 =	sadd.s32 $0x400, s29  }
0x4d: {  	[tilespmem:s20], [sflag:$0x2] =	stream.indirect.gather [hbm4b:s1+s19], $0x80, s30, s19, $0xb8;
	[tilespmem:$0x1E800] =	vst v63  }
0x4e: {  	p0 =	sne.s32 s29, $0x4800;
	_ =	swait.ge [sflag:s21], $0x4000  }
0x4f: {  	[sflag:s21] =	ssyncset.done $0x0  }
0x50: {  	s29 =	sadd.s32 $0x1400, s28;
	[sflag:s21] =	ssyncadd.s32 $0xFFFFC000  }
0x51: {  	[spmem:s3] =	stream.indirect.scatter.add.f32 [tilespmem:s16], [sflag:$0x3], $0x80, s29, s19, $0xb8;
	[tilespmem:$0x1E800] =	vst v63  }
0x52: {  	_ =	swait.ge [sflag:s17], $0x4000  }
0x53: {  	[sflag:s17] =	ssyncset.done $0x0  }
0x54: {  	s29 =	sadd.s32 $0x100, s28;
	[sflag:s17] =	ssyncadd.s32 $0xFFFFC000  }
0x55: {  	[tilespmem:s16], [sflag:$0x1] =	stream.indirect.gather [hbm4b:s1+s19], $0x80, s29, s19, $0xb8;
	[tilespmem:$0x1E800] =	vst v63  }
0x56: {  	_ =	swait.ge [sflag:s22], $0x4000  }
.Ltmp1:
0x57: {  	[sflag:s22] =	ssyncset.done $0x0;
	(pc) =	sbr.rel @p0 .LBB2_4-.Ltmp1, $4  }
0x58: {  	s28 =	sadd.s32 $0x1480, s28;
	[sflag:s22] =	ssyncadd.s32 $0xFFFFC000  }
0x59: {  	[spmem:s3] =	stream.indirect.scatter.add.f32 [tilespmem:s20], [sflag:$0x3], $0x80, s28, s19, $0xb8;
	[tilespmem:$0x1E800] =	vst v63  }
0x5a: {  	_ =	swait.ge [sflag:s17], $0x4000  }
0x5b: {  	s29 =	smov.u32 s2;
	s28 =	sshra.s32 s31, $0x2;
	[sflag:s17] =	ssyncset.done $0x0  }
0x5c: {  	s2 =	sadd.s32 $0x80, s28;
	[sflag:s17] =	ssyncadd.s32 $0xFFFFC000  }
0x5d: {  	[tilespmem:s20], [sflag:$0x2] =	stream.indirect.gather [hbm4b:s1+s19], $0x80, s2, s19, $0xb8;
	[tilespmem:$0x1E800] =	vst v63  }
0x5e: {  	_ =	swait.ge [sflag:s21], $0x4000  }
0x5f: {  	[sflag:s21] =	ssyncset.done $0x0  }
0x60: {  	s30 =	sadd.s32 $0x1400, s28;
	[sflag:s21] =	ssyncadd.s32 $0xFFFFC000  }
0x61: {  	[spmem:s3] =	stream.indirect.scatter.add.f32 [tilespmem:s16], [sflag:$0x3], $0x80, s30, s19, $0xb8;
	[tilespmem:$0x1E800] =	vst v63  }
0x62: {  	_ =	swait.ge [sflag:s17], $0x4000  }
0x63: {  	[sflag:s17] =	ssyncset.done $0x0  }
0x64: {  	s31 =	sadd.s32 $0x100, s28;
	[sflag:s17] =	ssyncadd.s32 $0xFFFFC000  }
0x65: {  	[tilespmem:s16], [sflag:$0x1] =	stream.indirect.gather [hbm4b:s1+s19], $0x80, s31, s19, $0xb8;
	[tilespmem:$0x1E800] =	vst v63  }
0x66: {  	_ =	swait.ge [sflag:s22], $0x4000  }
0x67: {  	[sflag:s22] =	ssyncset.done $0x0  }
0x68: {  	s30 =	sadd.s32 $0x1480, s28;
	[sflag:s22] =	ssyncadd.s32 $0xFFFFC000  }
0x69: {  	[spmem:s3] =	stream.indirect.scatter.add.f32 [tilespmem:s20], [sflag:$0x3], $0x80, s30, s19, $0xb8;
	[tilespmem:$0x1E800] =	vst v63  }
0x6a: {  	_ =	swait.ge [sflag:s17], $0x4000  }
0x6b: {  	[sflag:s17] =	ssyncset.done $0x0  }
0x6c: {  	[sflag:s17] =	ssyncadd.s32 $0xFFFFC000  }
0x6d: {  	[tilespmem:s20], [sflag:$0x2] =	stream.indirect.gather [hbm4b:s1+s19], $0x80, s23, s19, $0xb8;
	[tilespmem:$0x1E800] =	vst v63  }
0x6e: {  	_ =	swait.ge [sflag:s21], $0x4000  }
0x6f: {  	[sflag:s21] =	ssyncset.done $0x0  }
0x70: {  	[sflag:s21] =	ssyncadd.s32 $0xFFFFC000  }
0x71: {  	[spmem:s3] =	stream.indirect.scatter.add.f32 [tilespmem:s16], [sflag:$0x3], $0x80, s24, s19, $0xb8;
	[tilespmem:$0x1E800] =	vst v63  }
0x72: {  	_ =	swait.ge [sflag:s17], $0x4000  }
0x73: {  	[sflag:s17] =	ssyncset.done $0x0  }
0x74: {  	[sflag:s17] =	ssyncadd.s32 $0xFFFFC000  }
0x75: {  	_ =	swait.ge [sflag:s22], $0x4000  }
0x76: {  	[sflag:s22] =	ssyncset.done $0x0  }
0x77: {  	[sflag:s22] =	ssyncadd.s32 $0xFFFFC000  }
0x78: {  	[spmem:s3] =	stream.indirect.scatter.add.f32 [tilespmem:s20], [sflag:$0x3], $0x80, s25, s19, $0xb8;
	[tilespmem:$0x1E800] =	vst v63  }
0x79: {  	_ =	swait.ge [sflag:s17], $0x4000  }
0x7a: {  	[sflag:s17] =	ssyncset.done $0x0  }
0x7b: {  	s31 =	simm.s32 $0x0;
	[sflag:s17] =	ssyncadd.s32 $0xFFFFC000  }
0x7c: {  	[tilespmem:s31], [sflag:$0x3] =	stream.linear.gather [hbm4b:s14+s31], $0x1400, $0x38;
	[tilespmem:$0x1E800] =	vst v63  }
0x7d: {  	_ =	swait.ge [sflag:s17], $0x1400  }
0x7e: {  	[sflag:s17] =	ssyncset.done $0x0  }
0x7f: {  	[sflag:s17] =	ssyncadd.s32 $0xFFFFEC00  }
0x80: {  	[tilespmem:s18], [sflag:$0x3] =	stream.linear.gather [hbm4b:s15+s31], $0x1400, $0x38;
	[tilespmem:$0x1E800] =	vst v63  }
0x81: {  	_ =	swait.ge [sflag:s17], $0x1400  }
0x82: {  	[sflag:s17] =	ssyncset.done $0x0  }
0x83: {  	[sflag:s17] =	ssyncadd.s32 $0xFFFFEC00  }
0x84: {  	[tilespmem:s16], [sflag:$0x1] =	stream.indirect.gather [hbm4b:s1+s19], $0x80, s31, s19, $0xb8;
	[tilespmem:$0x1E800] =	vst v63  }
0x85: {  	s30 =	simm.s32 $0x80  }
0x86: {  	[tilespmem:s20], [sflag:$0x2] =	stream.indirect.gather [hbm4b:s1+s19], $0x80, s30, s19, $0xb8;
	[tilespmem:$0x1E800] =	vst v63  }
0x87: {  	_ =	swait.ge [sflag:s21], $0x4000  }
0x88: {  	[sflag:s21] =	ssyncset.done $0x0  }
0x89: {  	s31 =	simm.s32 $0x1400;
	[sflag:s21] =	ssyncadd.s32 $0xFFFFC000  }
0x8a: {  	[spmem:s3] =	stream.indirect.scatter.add.f32 [tilespmem:s16], [sflag:$0x3], $0x80, s31, s19, $0xb8;
	[tilespmem:$0x1E800] =	vst v63  }
0x8b: {  	_ =	swait.ge [sflag:s17], $0x4000  }
0x8c: {  	[sflag:s17] =	ssyncset.done $0x0  }
0x8d: {  	s30 =	simm.s32 $0x100;
	[sflag:s17] =	ssyncadd.s32 $0xFFFFC000  }
0x8e: {  	[tilespmem:s16], [sflag:$0x1] =	stream.indirect.gather [hbm4b:s1+s19], $0x80, s30, s19, $0xb8;
	[tilespmem:$0x1E800] =	vst v63  }
0x8f: {  	_ =	swait.ge [sflag:s22], $0x4000  }
0x90: {  	[sflag:s22] =	ssyncset.done $0x0  }
0x91: {  	s31 =	simm.s32 $0x1480;
	[sflag:s22] =	ssyncadd.s32 $0xFFFFC000  }
0x92: {  	[spmem:s3] =	stream.indirect.scatter.add.f32 [tilespmem:s20], [sflag:$0x3], $0x80, s31, s19, $0xb8;
	[tilespmem:$0x1E800] =	vst v63  }
0x93: {  	_ =	swait.ge [sflag:s17], $0x4000  }
0x94: {  	s29 =	simm.s32 $0x800;
	s28 =	simm.s32 $0x100;
	[sflag:s17] =	ssyncset.done $0x0  }
.LBB2_6:
0x95: {  	s2 =	sadd.s32 $0x80, s28  }
0x96: {  	[sflag:s17] =	ssyncadd.s32 $0xFFFFC000;
	s30 =	smov.u32 s29;
	s31 =	sadd.s32 $0x400, s29  }
0x97: {  	[tilespmem:s20], [sflag:$0x2] =	stream.indirect.gather [hbm4b:s1+s19], $0x80, s2, s19, $0xb8;
	[tilespmem:$0x1E800] =	vst v63  }
0x98: {  	p0 =	sne.s32 s29, $0x4800;
	_ =	swait.ge [sflag:s21], $0x4000  }
0x99: {  	[sflag:s21] =	ssyncset.done $0x0  }
0x9a: {  	s2 =	sadd.s32 $0x1400, s28;
	[sflag:s21] =	ssyncadd.s32 $0xFFFFC000  }
0x9b: {  	[spmem:s3] =	stream.indirect.scatter.add.f32 [tilespmem:s16], [sflag:$0x3], $0x80, s2, s19, $0xb8;
	[tilespmem:$0x1E800] =	vst v63  }
0x9c: {  	_ =	swait.ge [sflag:s17], $0x4000  }
0x9d: {  	[sflag:s17] =	ssyncset.done $0x0  }
0x9e: {  	s2 =	sadd.s32 $0x100, s28;
	[sflag:s17] =	ssyncadd.s32 $0xFFFFC000  }
0x9f: {  	[tilespmem:s16], [sflag:$0x1] =	stream.indirect.gather [hbm4b:s1+s19], $0x80, s2, s19, $0xb8;
	[tilespmem:$0x1E800] =	vst v63  }
0xa0: {  	_ =	swait.ge [sflag:s22], $0x4000  }
.Ltmp2:
0xa1: {  	[sflag:s22] =	ssyncset.done $0x0;
	(pc) =	sbr.rel @p0 .LBB2_6-.Ltmp2, $4  }
0xa2: {  	s2 =	sadd.s32 $0x1480, s28;
	[sflag:s22] =	ssyncadd.s32 $0xFFFFC000  }
0xa3: {  	[spmem:s3] =	stream.indirect.scatter.add.f32 [tilespmem:s20], [sflag:$0x3], $0x80, s2, s19, $0xb8;
	[tilespmem:$0x1E800] =	vst v63  }
0xa4: {  	_ =	swait.ge [sflag:s17], $0x4000  }
0xa5: {  	s29 =	smov.u32 s31;
	s28 =	sshra.s32 s30, $0x2;
	[sflag:s17] =	ssyncset.done $0x0  }
0xa6: {  	s2 =	sadd.s32 $0x80, s28;
	[sflag:s17] =	ssyncadd.s32 $0xFFFFC000  }
0xa7: {  	[tilespmem:s20], [sflag:$0x2] =	stream.indirect.gather [hbm4b:s1+s19], $0x80, s2, s19, $0xb8;
	[tilespmem:$0x1E800] =	vst v63  }
0xa8: {  	_ =	swait.ge [sflag:s21], $0x4000  }
0xa9: {  	[sflag:s21] =	ssyncset.done $0x0  }
0xaa: {  	s30 =	sadd.s32 $0x1400, s28;
	[sflag:s21] =	ssyncadd.s32 $0xFFFFC000  }
0xab: {  	[spmem:s3] =	stream.indirect.scatter.add.f32 [tilespmem:s16], [sflag:$0x3], $0x80, s30, s19, $0xb8;
	[tilespmem:$0x1E800] =	vst v63  }
0xac: {  	_ =	swait.ge [sflag:s17], $0x4000  }
0xad: {  	[sflag:s17] =	ssyncset.done $0x0  }
0xae: {  	s31 =	sadd.s32 $0x100, s28;
	[sflag:s17] =	ssyncadd.s32 $0xFFFFC000  }
0xaf: {  	[tilespmem:s16], [sflag:$0x1] =	stream.indirect.gather [hbm4b:s1+s19], $0x80, s31, s19, $0xb8;
	[tilespmem:$0x1E800] =	vst v63  }
0xb0: {  	_ =	swait.ge [sflag:s22], $0x4000  }
0xb1: {  	[sflag:s22] =	ssyncset.done $0x0  }
0xb2: {  	s29 =	sadd.s32 $0x1480, s28;
	[sflag:s22] =	ssyncadd.s32 $0xFFFFC000  }
0xb3: {  	[spmem:s3] =	stream.indirect.scatter.add.f32 [tilespmem:s20], [sflag:$0x3], $0x80, s29, s19, $0xb8;
	[tilespmem:$0x1E800] =	vst v63  }
0xb4: {  	_ =	swait.ge [sflag:s17], $0x4000  }
0xb5: {  	[sflag:s17] =	ssyncset.done $0x0  }
0xb6: {  	[sflag:s17] =	ssyncadd.s32 $0xFFFFC000  }
0xb7: {  	[tilespmem:s20], [sflag:$0x2] =	stream.indirect.gather [hbm4b:s1+s19], $0x80, s23, s19, $0xb8;
	[tilespmem:$0x1E800] =	vst v63  }
0xb8: {  	_ =	swait.ge [sflag:s21], $0x4000  }
0xb9: {  	[sflag:s21] =	ssyncset.done $0x0  }
0xba: {  	[sflag:s21] =	ssyncadd.s32 $0xFFFFC000  }
0xbb: {  	[spmem:s3] =	stream.indirect.scatter.add.f32 [tilespmem:s16], [sflag:$0x3], $0x80, s24, s19, $0xb8;
	[tilespmem:$0x1E800] =	vst v63  }
0xbc: {  	_ =	swait.ge [sflag:s17], $0x4000  }
0xbd: {  	[sflag:s17] =	ssyncset.done $0x0  }
0xbe: {  	[sflag:s17] =	ssyncadd.s32 $0xFFFFC000  }
0xbf: {  	_ =	swait.ge [sflag:s22], $0x4000  }
0xc0: {  	[sflag:s22] =	ssyncset.done $0x0  }
0xc1: {  	[sflag:s22] =	ssyncadd.s32 $0xFFFFC000  }
0xc2: {  	[spmem:s3] =	stream.indirect.scatter.add.f32 [tilespmem:s20], [sflag:$0x3], $0x80, s25, s19, $0xb8;
	[tilespmem:$0x1E800] =	vst v63  }
0xc3: {  	_ =	swait.ge [sflag:s17], $0x4000  }
0xc4: {  	s26 =	sadd.s32 $0x1, s26;
	s30 =	sshll.u32 s0, $0x6;
	[sflag:s17] =	ssyncset.done $0x0  }
0xc5: {  	p0 =	sne.s32 s26, s11;
	s2 =	sor.u32 $0x1C03, s30;
	[sflag:s17] =	ssyncadd.s32 $0xFFFFC000  }
.Ltmp3:
0xc6: {  	s31 =	sshrl.u32 s5, $0x3;
	[bflag:$0x0] =	sbarrier.arrive $0xFFFF;
	(pc) =	sbr.rel @p0 .LBB2_1-.Ltmp3, $4  }
0xc7: {  	[hbm:s10], [sflag:s2] =	dma.local [spmem:s31], $0x2800  }
0xc8: {  	_ =	swait.ge [sflag:s17], $0x2800  }
0xc9: {  	[sflag:s17] =	ssyncset.done $0x0  }
0xca: {  	[sflag:s17] =	ssyncadd.s32 $0xFFFFD800  }
0xcb: {  	_ =	sfence.sel $0x180000  }
0xcc: {  	[bflag:$0x0] =	sbarrier.arrive $0xFFFF  }
0xcd: {  	_ =	strace $0x9000004D  }
0xce: {  	[bflag:$0x2] =	sbarrier.arrive $0xFFFF  }
0xcf: {  	p0 =	sne.s32 s0, $0x0;
	s0 =	rddreg [dreg:$0x3]  }
0xd0: {  	s0 =	sadd.s32 @!p0 $0x100000, s0  }
0xd1: {  	[sflag:s0] =	ssyncadd.tile.s32 @!p0 $0x1;
	_ =	shalt  }
.Lfunc_end2:
_tile_overlayer_lowered:
.L_overlay_start_2:
0xd2: {  	(tag) =	ssettag $0x2  }
0xd3: {  	s0 =	rddreg [dreg:$0x0];
	s2 =	stileid.u32  }
0xd4: {  	s1 =	rddreg [dreg:$0x1];
	p0 =	sne.s32 s2, $0x0  }
0xd5: {  	s3 =	rddreg [dreg:$0x2];
	[bflag:$0x3] =	sbarrier.arrive $0xFFFF;
	s2 =	simm.s32 @!p0 $0x1C03  }
0xd6: {  	[timem:s3], [sflag:s2] =	dma.local @!p0 [hbm:s0], s1  }
0xd7: {  	s0 =	simm.s32 @!p0 $0x3  }
0xd8: {  	_ =	swait.ge @!p0 [sflag:s0], s1  }
0xd9: {  	s1 =	ssub.s32 @!p0 $0x0, s1;
	[sflag:s0] =	ssyncset.done @!p0 $0x0  }
0xda: {  	[sflag:s0] =	ssyncadd.s32 @!p0 s1  }
0xdb: {  	[bflag:$0x3] =	sbarrier.arrive $0xFFFF  }
0xdc: {  	_ =	shalt  }

// kernel: kernel.9.cloned.1.call-start
scs
__scs_entry_jumppad:
0x0: {  	(pc) =	sbr.rel $0x88, $3  }
0x1: {  	(tag) =	ssettag $0x0;
	lr =	simm.s32 $0x1  }
0x2: {  	[smem:$0x3F97] =	sst lr;
	_ =	strace $0xD0000000  }
0x3: {  	_ = 	snop  }
0x4: {  	_ = 	snop  }
0x5: {  	_ = 	snop  }
0x6: {  	_ = 	snop  }
0x7: {  	_ = 	snop  }
__scs_overlays_trampoline_lowered:
0x8: {  	[smem:$0x3FA6] =	sst s0  }
0x9: {  	[smem:$0x3FA7] =	sst s1  }
0xa: {  	[smem:$0x3FA8] =	sst s2  }
0xb: {  	[smem:$0x3FA9] =	sst s3  }
0xc: {  	[smem:$0x3FAA] =	sst s4  }
0xd: {  	[smem:$0x3FAB] =	sst s5  }
0xe: {  	[smem:$0x3FAC] =	sst s6  }
0xf: {  	[smem:$0x3FAD] =	sst s7  }
0x10: {  	[smem:$0x3FAE] =	sst s8  }
0x11: {  	[smem:$0x3FAF] =	sst s9;
	s0 =	simm.s32 @!p0 $0x0  }
0x12: {  	s1 =	sld [smem:$0x3F95];
	s0 =	simm.s32 @p0 $0x1  }
0x13: {  	[smem:$0x3FB0] =	sst s0;
	s0 =	simm.s32 @!p1 $0x0  }
0x14: {  	s2 =	sld [smem:$0x3F94];
	s0 =	simm.s32 @p1 $0x1  }
0x15: {  	[smem:$0x3FB1] =	sst s0;
	s0 =	simm.s32 @!p2 $0x0  }
0x16: {  	s3 =	sld [smem:$0x3FDB];
	s0 =	simm.s32 @p2 $0x1  }
0x17: {  	s4 =	simm.s32 $0x1BF5;
	[smem:$0x3FB3] =	sst s0  }
0x18: {  	s0 =	sld [smem:$0x3F96];
	_ =	swait.ge [sflag:s4], $0x0  }
0x19: {  	s7 =	sld [smem:$0x3F97]  }
0x1a: {  	s8 =	sadd.s32 $0xFFFFE003, lr  }
0x1b: {  	s9 =	sadd.s32 $0xFFFFFEF7, lr;
	s5 =	simm.s32 $0xFFFFFFFF;
	p2 =	slt.u32 s8, $0xFFFFF086  }
0x1c: {  	p1 =	slt.u32 s9, $0xF7A;
	s5 =	simm.s32 @!p2 $0x0  }
0x1d: {  	s5 =	simm.s32 @p1 $0x1;
	p0 =	seq.s32 s7, s2  }
0x1e: {  	s7 =	smul.u32 @!p0 $0xF7A, s2;
	p2 =	seq.s32 @!p0 s5, $0x0  }
0x1f: {  	s9 =	smul.u32 $0xF7A, s1;
	s8 =	simm.s32 @!p0 $0x1BF5;
	p2 =	por !p2, p0  }
0x20: {  	[sflag:s8] =	ssyncset.s32 @!p0 $0xFFFFF086;
	s6 =	sadd.s32 @!p0 s3, s7;
	s7 =	simm.s32 @!p0 $0x108  }
0x21: {  	s3 =	sadd.s32 s3, s9;
	s6 =	sadd.s32 @!p0 $0x88, s6;
	s7 =	simm.s32 @p2 $0x1082  }
0x22: {  	[simem:s7], [sflag:s8] =	dma.local @!p0 [hbm:s6], $0xF7A  }
0x23: {  	s9 =	sor.u32 $0xD0000000, s2;
	s6 =	simm.s32 $0x108;
	_ =	swait.ge @!p0 [sflag:s8], $0x0  }
0x24: {  	s3 =	sadd.s32 $0x88, s3;
	s6 =	simm.s32 @!p1 $0x1082;
	[sflag:s4] =	ssyncset.s32 $0xFFFFF086  }
0x25: {  	[simem:s6], [sflag:s4] =	dma.local [hbm:s3], $0xF7A  }
0x26: {  	[smem:$0x3F97] =	sst s1;
	(tag) =	ssettag s2;
	_ =	strace s9  }
0x27: {  	s1 =	sld [smem:$0x3FA7]  }
0x28: {  	s2 =	sld [smem:$0x3FA8]  }
0x29: {  	s4 =	sld [smem:$0x3FAA]  }
0x2a: {  	p0 =	seq.s32 s5, $0x0;
	s5 =	sld [smem:$0x3FAB]  }
0x2b: {  	s6 =	sld [smem:$0x3FAC]  }
0x2c: {  	s7 =	sld [smem:$0x3FAD]  }
0x2d: {  	s3 =	simm.s32 $0x108;
	s8 =	sld [smem:$0x3FAE]  }
0x2e: {  	s3 =	simm.s32 @!p0 $0x1082;
	s9 =	sld [smem:$0x3FAF]  }
0x2f: {  	lr =	sadd.s32 s0, s3;
	s0 =	sld [smem:$0x3FA6]  }
0x30: {  	s3 =	sld [smem:$0x3FA9]  }
0x31: {  	[smem:$0x3FB2] =	sst s10  }
0x32: {  	s10 =	sld [smem:$0x3FB0];
	_ =	sdelay $0x3  }
0x33: {  	p0 =	seq.s32 s10, $0x1;
	s10 =	sld [smem:$0x3FB2];
	_ =	sdelay $0x3  }
0x34: {  	[smem:$0x3FB2] =	sst s10  }
0x35: {  	s10 =	sld [smem:$0x3FB1];
	_ =	sdelay $0x3  }
0x36: {  	p1 =	seq.s32 s10, $0x1;
	s10 =	sld [smem:$0x3FB2];
	_ =	sdelay $0x3  }
0x37: {  	[smem:$0x3FB2] =	sst s10  }
0x38: {  	s10 =	sld [smem:$0x3FB3]  }
0x39: {  	_ = 	snop;
	(pc) =	sbr.ind lr, $3  }
0x3a: {  	_ = 	snop  }
0x3b: {  	_ = 	snop  }
0x3c: {  	p2 =	seq.s32 s10, $0x1;
	s10 =	sld [smem:$0x3FB2]  }
0x3d: {  	_ =	shalt  }
0x3e: {  	_ =	shalt  }
0x3f: {  	_ =	shalt  }
0x40: {  	_ =	shalt  }
0x41: {  	_ =	shalt  }
0x42: {  	_ =	shalt  }
0x43: {  	_ =	shalt  }
0x44: {  	_ =	shalt  }
0x45: {  	_ =	shalt  }
0x46: {  	_ =	shalt  }
0x47: {  	_ =	shalt  }
0x48: {  	_ =	shalt  }
0x49: {  	_ =	shalt  }
0x4a: {  	_ =	shalt  }
0x4b: {  	_ =	shalt  }
0x4c: {  	_ =	shalt  }
0x4d: {  	_ =	shalt  }
0x4e: {  	_ =	shalt  }
0x4f: {  	_ =	shalt  }
0x50: {  	_ =	shalt  }
0x51: {  	_ =	shalt  }
0x52: {  	_ =	shalt  }
0x53: {  	_ =	shalt  }
0x54: {  	_ =	shalt  }
0x55: {  	_ =	shalt  }
0x56: {  	_ =	shalt  }
0x57: {  	_ =	shalt  }
0x58: {  	_ =	shalt  }
0x59: {  	_ =	shalt  }
0x5a: {  	_ =	shalt  }
0x5b: {  	_ =	shalt  }
0x5c: {  	_ =	shalt  }
0x5d: {  	_ =	shalt  }
0x5e: {  	_ =	shalt  }
0x5f: {  	_ =	shalt  }
0x60: {  	_ =	shalt  }
0x61: {  	_ =	shalt  }
0x62: {  	_ =	shalt  }
0x63: {  	_ =	shalt  }
0x64: {  	_ =	shalt  }
0x65: {  	_ =	shalt  }
0x66: {  	_ =	shalt  }
0x67: {  	_ =	shalt  }
0x68: {  	_ =	shalt  }
0x69: {  	_ =	shalt  }
0x6a: {  	_ =	shalt  }
0x6b: {  	_ =	shalt  }
0x6c: {  	_ =	shalt  }
0x6d: {  	_ =	shalt  }
0x6e: {  	_ =	shalt  }
0x6f: {  	_ =	shalt  }
0x70: {  	_ =	shalt  }
0x71: {  	_ =	shalt  }
0x72: {  	_ =	shalt  }
0x73: {  	_ =	shalt  }
0x74: {  	_ =	shalt  }
0x75: {  	_ =	shalt  }
0x76: {  	_ =	shalt  }
0x77: {  	_ =	shalt  }
0x78: {  	_ =	shalt  }
0x79: {  	_ =	shalt  }
0x7a: {  	_ =	shalt  }
0x7b: {  	_ =	shalt  }
0x7c: {  	_ =	shalt  }
0x7d: {  	_ =	shalt  }
0x7e: {  	_ =	shalt  }
0x7f: {  	_ =	shalt  }
0x80: {  	_ =	shalt  }
0x81: {  	_ =	shalt  }
0x82: {  	_ =	shalt  }
0x83: {  	_ =	shalt  }
0x84: {  	_ =	shalt  }
0x85: {  	_ =	shalt  }
0x86: {  	_ =	shalt  }
0x87: {  	_ =	shalt  }
.Lfunc_end0:
.L_simem_size_0:
called_computation_lowered:
.L_overlay_start_0:
0x88: {  	s2 =	sld [smem:$0x3FD9]  }
0x89: {  	s3 =	sld [smem:$0x3FFE];
	_ =	sdelay $0x1  }
0x8a: {  	s1 =	srdreg.scid  }
0x8b: {  	s0 =	sand.u32 $0x1, s1  }
0x8c: {  	s17 =	sshll.u32 s0, $0xA;
	s2 =	sadd.s32 s3, s2  }
0x8d: {  	s2 =	sadd.s32 s2, s17  }
0x8e: {  	[smem:$0x3FBE] =	sst s2  }
0x8f: {  	_ = 	snop  }
0x90: {  	s2 =	sld [smem:$0x3FD0];
	(tm) =	ssettm $0x1  }
0x91: {  	s18 =	sld [smem:$0x3FFB];
	_ =	sdelay $0x3  }
0x92: {  	_ =	strace s18  }
0x93: {  	s3 =	sld [smem:$0x3FFC];
	_ =	sdelay $0x3  }
0x94: {  	_ =	strace s3  }
0x95: {  	s3 =	sld [smem:$0x3FFD];
	_ =	sdelay $0x3  }
0x96: {  	_ =	strace s3  }
0x97: {  	_ =	strace $0x8FFFFFFF  }
0x98: {  	s19 =	sld [smem:$0x3FDB];
	_ =	sdelay $0x1  }
0x99: {  	s4 =	simm.s32 $_scs_section_size  }
0x9a: {  	s5 =	simm.s32 $_size__tile_overlayer_lowered;
	s6 =	simm.s32 $_tile_overlayer_lowered  }
0x9b: {  	s22 =	simm.s32 $0x1BFF;
	s21 =	sshll.u32 s6, $0x1;
	s3 =	sadd.s32 s4, s19  }
0x9c: {  	s7 =	simm.s32 $0x0;
	s20 =	sshll.u32 s5, $0x1;
	s5 =	sadd.s32 s21, s3  }
0x9d: {  	[timem:s7], [sflag:s22] =	dma.local [hbm:s5], s20  }
0x9e: {  	_ =	swait.ge [sflag:s22], s20  }
0x9f: {  	s4 =	ssub.s32 $0x0, s20;
	[sflag:s22] =	ssyncset.done $0x0  }
0xa0: {  	[sflag:s22] =	ssyncadd.s32 s4;
	_ =	sdelay $0x1  }
0xa1: {  	s23 =	simm.s32 $0x1B8B  }
0xa2: {  	_ =	swait.ge [sflag:s23], $0x1  }
0xa3: {  	[sflag:s23] =	ssyncset.done $0x0  }
0xa4: {  	s25 =	simm.s32 $0x1B8E;
	s24 =	sld [smem:$0x3FFE];
	[sflag:s23] =	ssyncadd.s32 $0xFFFFFFFF  }
0xa5: {  	s26 =	simm.s32 $execute0_lowered;
	[smem:$0x3FD2] =	sst s25  }
0xa6: {  	s5 =	sshll.u32 s26, $0x1;
	_ =	strace $0x80000046;
	[dreg:$0x1] =	wrdreg $0xFFFFFFFF  }
0xa7: {  	s28 =	simm.s32 $_size_execute0_lowered;
	s3 =	sadd.s32 s3, s5;
	[dreg:$0x0] =	wrdreg $0x0  }
0xa8: {  	s5 =	sshll.u32 s28, $0x1;
	[dreg:$0x2] =	wrdreg s3  }
0xa9: {  	[dreg:$0x3] =	wrdreg s5  }
0xaa: {  	[dreg:$0x4] =	wrdreg $0xC0  }
0xab: {  	_ =	task [dreg:s7], $0x5FFFF  }
0xac: {  	[dreg:$0x1] =	wrdreg $0xFFFFFFFF  }
0xad: {  	[dreg:$0x0] =	wrdreg $0x60  }
0xae: {  	[dreg:$0x2] =	wrdreg s24  }
0xaf: {  	[dreg:$0x3] =	wrdreg s2  }
0xb0: {  	[dreg:$0x4] =	wrdreg $0x9  }
0xb1: {  	_ =	task.clear_ibuf [dreg:s7], $0x5FFFF;
	_ =	strace $0x90000046  }
0xb2: {  	s29 =	simm.s32 $0x9;
	_ =	strace $0x80000048  }
0xb3: {  	_ =	swait.ge [sflag:s29], $0x1  }
0xb4: {  	[sflag:s29] =	ssyncadd.s32 $0xFFFFFFFF  }
0xb5: {  	_ =	strace $0x90000048  }
0xb6: {  	_ =	sfence  }
0xb7: {  	s30 =	sld [smem:$0x0];
	_ =	sdelay $0x2  }
0xb8: {  	s31 =	sshll.u32 s1, $0xD;
	s1 =	sshrl.u32 s1, $0x2  }
0xb9: {  	s3 =	sand.u32 $0x4000, s31;
	s1 =	sadd.s32 s1, s30  }
0xba: {  	s0 =	sor.u32 s3, s0;
	s1 =	sshll.u32 s1, $0x11  }
0xbb: {  	s0 =	sor.u32 s1, s0  }
0xbc: {  	s0 =	sadd.s32 $0x8F2B, s0  }
0xbd: {  	[sflag:s0] =	ssyncadd.remote.s32 $0x1  }
0xbe: {  	_ =	sfence.sel $0xFFFF  }
0xbf: {  	[dreg:$0x0] =	wrdreg $0xFFFFFFFF;
	(pc) =	sbr.abs _section_cstart, $3  }
0xc0: {  	[dreg:$0x1] =	wrdreg $0xFFFFFFFF  }
0xc1: {  	_ =	task.clear_ibuf [dreg:s7], $0x2FFFF;
	_ =	strace $0x9FFFFFFF  }
0xc2: {  	(tm) =	ssettm $0x7FFFFFFF  }
0xc3: {  	_ =	shalt  }
tec
execute0_lowered:
.L_overlay_start_1:
0x0: {  	(tag) =	ssettag $0x1  }
0x1: {  	s3 =	rddreg [dreg:$0x0]  }
0x2: {  	s5 =	rddreg [dreg:$0x1]  }
0x3: {  	s0 =	rddreg [dreg:$0x2];
	s2 =	simm.s32 $0x0  }
0x4: {  	s1 =	stileid.u32;
	s4 =	srdreg.scid;
	s10 =	simm.s32 $0x1  }
0x5: {  	s11 =	simm.s32 $0x1400;
	s12 =	simm.s32 $0x2800;
	s13 =	simm.s32 $0x5000  }
0x6: {  	s14 =	simm.s32 $0x0;
	[smem:$0x7FF] =	sst s2;
	s6 =	sshrl.u32 s1, $0x2  }
0x7: {  	s4 =	sand.u32 $0x1, s4;
	s7 =	sshll.u32 s1, $0x8;
	s8 =	smul.u32 $0xA000, s6  }
0x8: {  	s9 =	sshll.u32 s4, $0x7;
	s7 =	sand.u32 $0x300, s7;
	s6 =	smul.u32 $0x14000, s6  }
0x9: {  	_ =	strace $0x80000047;
	s4 =	ssub.s32 $0x2, s4;
	s7 =	sor.u32 s9, s7  }
0xa: {  	s30 =	sshrl.u32 s4, $0x1;
	s8 =	sor.u32 s8, s7;
	s6 =	sor.u32 s6, s7  }
0xb: {  	s9 =	simm.s32 $0x400;
	s29 =	sshrl.u32 s8, $0x3;
	s6 =	sshrl.u32 s6, $0x3  }
0xc: {  	s8 =	ssub.s32 s4, s30;
	s7 =	sadd.s32 s29, s3;
	s31 =	sadd.s32 s6, s3  }
0xd: {  	s5 =	sadd.s32 s5, s6;
	s3 =	sadd.s32 $0xC800, s7;
	s4 =	sadd.s32 $0x11800, s7  }
0xe: {  	v0 =	vimm.f32 $0.0e+00;
	v1 =	vimm.f32 $1.000000000e+00;
	s6 =	sadd.s32 $0x16800, s31;
	s7 =	smax.u32 s8, $0x1;
	s8 =	simm.s32 $0x80  }
.LBB2_1:
0xf: {  	[tilespmem:s2], [sflag:$0x1] =	stream.strided.gather [hbm4b:s3+s8], $0x1400, s9, s8, $0x38;
	[tilespmem:$0x7800] =	vst v63  }
0x10: {  	_ =	swait.ge [sflag:s10], $0x1400  }
0x11: {  	[sflag:s10] =	ssyncset.done $0x0  }
0x12: {  	[sflag:s10] =	ssyncadd.s32 $0xFFFFEC00  }
0x13: {  	[tilespmem:s11], [sflag:$0x1] =	stream.strided.gather [hbm4b:s4+s8], $0x1400, s9, s8, $0x38;
	[tilespmem:$0x7800] =	vst v63  }
0x14: {  	_ =	swait.ge [sflag:s10], $0x1400  }
0x15: {  	[sflag:s10] =	ssyncset.done $0x0  }
0x16: {  	s15 =	simm.s32 $0x0;
	[sflag:s10] =	ssyncadd.s32 $0xFFFFEC00  }
.LBB2_2:
0x17: {  	p0 =	sne.s32 s15, $0x9FC0  }
.Ltmp0:
0x18: {  	_ = 	snop;
	(pc) =	sbr.rel @p0 .LBB2_2-.Ltmp0, $4  }
0x19: {  	_ = 	snop  }
0x1a: {  	s16 =	sshra.s32 s15, $0x2  }
0x1b: {  	[tilespmem:s16+$0x2800] =	vst v0  }
0x1c: {  	s15 =	sadd.s32 $0x40, s15;
	[tilespmem:s16+$0x5000] =	vst v0  }
0x1d: {  	s16 =	simm.s32 $0x0;
	s15 =	simm.s32 $0x40  }
.LBB2_4:
0x1e: {  	p0 =	sne.s32 s15, $0x4FC0;
	v2 =	vld [tilespmem:s16+$0x0];
	_ =	sdelay $0x7  }
0x1f: {  	[tilespmem:v2+s12+$0x0] =	vst.idx.add.f32.msk $0xffff, v1  }
0x20: {  	v2 =	vld [tilespmem:s16+$0x1400];
	_ =	sdelay $0x3  }
.Ltmp1:
0x21: {  	(pc) =	sbr.rel @p0 .LBB2_4-.Ltmp1, $2  }
0x22: {  	_ =	sdelay $0x2  }
0x23: {  	s16 =	sshra.s32 s15, $0x2;
	s15 =	sadd.s32 $0x40, s15;
	[tilespmem:v2+s13+$0x0] =	vst.idx.add.f32.msk $0xffff, v1  }
0x24: {  	v2 =	vld [tilespmem:s16+$0x0];
	_ =	sdelay $0x7  }
0x25: {  	[tilespmem:v2+s12+$0x0] =	vst.idx.add.f32.msk $0xffff, v1  }
0x26: {  	v2 =	vld [tilespmem:s16+$0x1400];
	_ =	sdelay $0x7  }
0x27: {  	[tilespmem:v2+s13+$0x0] =	vst.idx.add.f32.msk $0xffff, v1  }
0x28: {  	[hbm4b:s5+s8] =	stream.strided.scatter [tilespmem:s12], [sflag:$0x1], $0x2800, s9, s8, $0x38;
	[tilespmem:$0x7800] =	vst v63  }
0x29: {  	s14 =	sadd.s32 $0x1, s14;
	_ =	swait.ge [sflag:s10], $0x2800  }
0x2a: {  	p0 =	sne.s32 s14, s7;
	[sflag:s10] =	ssyncset.done $0x0  }
.Ltmp2:
0x2b: {  	[sflag:s10] =	ssyncadd.s32 $0xFFFFD800;
	(pc) =	sbr.rel @p0 .LBB2_1-.Ltmp2, $4  }
0x2c: {  	[hbm4b:s6+s8] =	stream.strided.scatter [tilespmem:s13], [sflag:$0x1], $0x2800, s9, s8, $0x38;
	[tilespmem:$0x7800] =	vst v63  }
0x2d: {  	_ =	swait.ge [sflag:s10], $0x2800  }
0x2e: {  	[sflag:s10] =	ssyncset.done $0x0  }
0x2f: {  	[sflag:s10] =	ssyncadd.s32 $0xFFFFD800  }
0x30: {  	_ =	sfence.sel $0x180000  }
0x31: {  	[bflag:$0x0] =	sbarrier.arrive $0xFFFF  }
0x32: {  	p0 =	sne.s32 s1, $0x0;
	_ =	strace $0x90000047  }
0x33: {  	s0 =	sadd.s32 @!p0 $0x100000, s0;
	[bflag:$0x2] =	sbarrier.arrive $0xFFFF  }
0x34: {  	[sflag:s0] =	ssyncadd.tile.s32 @!p0 $0x1;
	_ =	shalt  }
.Lfunc_end2:
_tile_overlayer_lowered:
.L_overlay_start_2:
0x35: {  	(tag) =	ssettag $0x2  }
0x36: {  	s0 =	rddreg [dreg:$0x0];
	s2 =	stileid.u32  }
0x37: {  	s1 =	rddreg [dreg:$0x1];
	p0 =	sne.s32 s2, $0x0  }
0x38: {  	s3 =	rddreg [dreg:$0x2];
	[bflag:$0x3] =	sbarrier.arrive $0xFFFF;
	s2 =	simm.s32 @!p0 $0x1C01  }
0x39: {  	[timem:s3], [sflag:s2] =	dma.local @!p0 [hbm:s0], s1  }
0x3a: {  	s0 =	simm.s32 @!p0 $0x1  }
0x3b: {  	_ =	swait.ge @!p0 [sflag:s0], s1  }
0x3c: {  	s1 =	ssub.s32 @!p0 $0x0, s1;
	[sflag:s0] =	ssyncset.done @!p0 $0x0  }
0x3d: {  	[sflag:s0] =	ssyncadd.s32 @!p0 s1  }
0x3e: {  	[bflag:$0x3] =	sbarrier.arrive $0xFFFF  }
0x3f: {  	_ =	shalt  }

</sc_bundles>
